<compile_context>
chip_gen: v7x
topology: tpu7x:2x2x1
jax: 0.10.2.dev20260603
libtpu: 0.0.44.dev20260713+nightly
codegen_flags: <defaults>
</compile_context>

<pallas_src>
import dataclasses
import functools

import jax
import jax.numpy as jnp
from jax import lax
from jax.experimental import pallas as pl
from jax.experimental.pallas import tpu as pltpu
from jax.experimental.pallas import tpu_sc as plsc

B = 16384
N = B * 32
F = 41024
D = 256
NC, NS, L = 2, 16, 16
NW = NC * NS

TAIL_START = B - 1
TAIL_ALIGNED = B
PER_TILE = (N - TAIL_ALIGNED) // NW
GATHER_PER_TILE = B // NW
GATHER_CHUNK = 128

_MESH = plsc.VectorSubcoreMesh(core_axis_name="c", subcore_axis_name="s")
_CP = pltpu.CompilerParams()
if "needs_layout_passes" in pltpu.CompilerParams.__dataclass_fields__:
    _CP = dataclasses.replace(_CP, needs_layout_passes=False)

_PREC = lax.Precision.HIGHEST
_MLP_PREC = lax.Precision.DEFAULT


@functools.partial(
    pl.kernel,
    out_type=jax.ShapeDtypeStruct((2, NW, F), jnp.int32),
    mesh=_MESH,
    scratch_types=[
        pltpu.VMEM((PER_TILE,), jnp.int32),
        pltpu.VMEM((PER_TILE,), jnp.int32),
        pltpu.VMEM((F,), jnp.int32),
        pltpu.VMEM((F,), jnp.int32),
        pltpu.VMEM((16,), jnp.int32),
        pltpu.SemaphoreType.DMA,
        pltpu.SemaphoreType.DMA,
        pltpu.SemaphoreType.DMA,
    ],
    compiler_params=_CP,
)
def _sc_hist(us_hbm, them_hbm, hist_hbm, idx_us_v, idx_them_v, hist_us_v,
             hist_them_v, extra_v, sem_us, sem_them, sem_out):
    wid = lax.axis_index("s") * NC + lax.axis_index("c")
    base = TAIL_ALIGNED + wid * PER_TILE
    ones = jnp.ones((L,), jnp.int32)

    d_us = pltpu.async_copy(us_hbm.at[pl.ds(base, PER_TILE)], idx_us_v, sem_us)
    d_them = pltpu.async_copy(them_hbm.at[pl.ds(base, PER_TILE)], idx_them_v,
                              sem_them)

    out_descs = []
    for side, (src, idx_v, hist_v, d) in enumerate(
            ((us_hbm, idx_us_v, hist_us_v, d_us),
             (them_hbm, idx_them_v, hist_them_v, d_them))):
        @pl.loop(0, F, step=L, unroll=8)
        def _(i):
            hist_v[pl.ds(i, L)] = jnp.zeros((L,), jnp.int32)

        d.wait()

        @pl.loop(0, PER_TILE, step=L, unroll=8)
        def _(i):
            vec = idx_v[pl.ds(i, L)]
            plsc.addupdate_scatter(hist_v, [vec], ones)

        @pl.when(wid == 0)
        def _():
            pltpu.sync_copy(src.at[pl.ds(B - L, L)], extra_v)
            vec = extra_v[...]
            mask = (B - L + lax.iota(jnp.int32, L)) >= TAIL_START
            plsc.addupdate_scatter(hist_v, [vec], ones, mask=mask)

        out_descs.append(
            pltpu.async_copy(hist_v, hist_hbm.at[side, wid], sem_out))
    for od in out_descs:
        od.wait()


@functools.partial(
    pl.kernel,
    out_type=(jax.ShapeDtypeStruct((B, D), jnp.float32),
              jax.ShapeDtypeStruct((B, D), jnp.float32)),
    mesh=_MESH,
    scratch_types=[
        pltpu.VMEM((GATHER_PER_TILE,), jnp.int32),
        pltpu.VMEM((GATHER_PER_TILE,), jnp.int32),
        pltpu.VMEM((GATHER_CHUNK, D), jnp.float32),
        pltpu.VMEM((GATHER_CHUNK, D), jnp.float32),
        pltpu.SemaphoreType.DMA,
        pltpu.SemaphoreType.DMA,
        pltpu.SemaphoreType.DMA,
        pltpu.SemaphoreType.DMA,
    ],
    compiler_params=_CP,
)
def _sc_gather(table_hbm, us_hbm, them_hbm, us_out, them_out,
               idx_us_v, idx_them_v, rows0_v, rows1_v,
               gsem0, gsem1, wsem0, wsem1):
    wid = lax.axis_index("s") * NC + lax.axis_index("c")
    tbase = wid * GATHER_PER_TILE

    pltpu.sync_copy(us_hbm.at[pl.ds(tbase, GATHER_PER_TILE)], idx_us_v)
    pltpu.sync_copy(them_hbm.at[pl.ds(tbase, GATHER_PER_TILE)], idx_them_v)

    chunks = [(idx_us_v, c, us_out) for c in range(0, GATHER_PER_TILE,
                                                   GATHER_CHUNK)]
    chunks += [(idx_them_v, c, them_out) for c in range(0, GATHER_PER_TILE,
                                                        GATHER_CHUNK)]
    rows = (rows0_v, rows1_v)
    gsems = (gsem0, gsem1)
    wsems = (wsem0, wsem1)
    wdescs = [None, None]
    for i, (idx_v, c, dst) in enumerate(chunks):
        b = i % 2
        if wdescs[b] is not None:
            wdescs[b].wait()
        pltpu.async_copy(
            table_hbm.at[idx_v.at[pl.ds(c, GATHER_CHUNK)]], rows[b],
            gsems[b]).wait()
        wdescs[b] = pltpu.async_copy(
            rows[b], dst.at[pl.ds(tbase + c, GATHER_CHUNK)], wsems[b])
    for wd in wdescs:
        wd.wait()


_KB = 512
_KSTEPS = F // _KB
_KTAIL = F - _KSTEPS * _KB


def _matvec_body(hist_ref, table_ref, hist_tail_ref, table_tail_ref, out_ref):
    k = pl.program_id(0)
    counts = jnp.sum(hist_ref[...], axis=1).astype(jnp.float32)
    part = jax.lax.dot_general(
        counts, table_ref[...], (((1,), (0,)), ((), ())),
        precision=_PREC, preferred_element_type=jnp.float32)

    @pl.when(k == 0)
    def _():
        tcounts = jnp.sum(hist_tail_ref[...].reshape(2, NW, _KTAIL),
                          axis=1).astype(jnp.float32)
        tail = jax.lax.dot_general(
            tcounts, table_tail_ref[...], (((1,), (0,)), ((), ())),
            precision=_PREC, preferred_element_type=jnp.float32)
        out_ref[...] = tail

    out_ref[...] += part


def _tc_matvec(hist, table):
    hist_tail = hist.reshape(2, NW, F // _KTAIL, 1, _KTAIL)
    return pl.pallas_call(
        _matvec_body,
        grid=(_KSTEPS,),
        in_specs=[
            pl.BlockSpec((2, NW, _KB), lambda k: (0, 0, k)),
            pl.BlockSpec((_KB, D), lambda k: (k, 0)),
            pl.BlockSpec((2, NW, 1, 1, _KTAIL),
                         lambda k: (0, 0, F // _KTAIL - 1, 0, 0)),
            pl.BlockSpec((_KTAIL, D), lambda k: (F // _KTAIL - 1, 0)),
        ],
        out_specs=pl.BlockSpec((2, D), lambda k: (0, 0)),
        out_shape=jax.ShapeDtypeStruct((2, D), jnp.float32),
    )(hist, table, hist_tail, table)


_BM = 512


def _mlp_body(us_ref, them_ref, big_ref, ftb_ref, w1a_ref, w1b_ref, b1_ref,
              w2_ref, b2_ref, ow_ref, ob_ref, out_ref):
    blk = pl.program_id(0)
    rid = blk * _BM + lax.broadcasted_iota(jnp.int32, (_BM, 1), 0)
    is_big = rid == (B - 1)

    ftb = ftb_ref[...]
    xu = jnp.clip(us_ref[...] + ftb, 0.0, 1.0)
    xt = jnp.clip(them_ref[...] + ftb, 0.0, 1.0)
    big_u = jnp.clip(big_ref[0:1, :] + ftb, 0.0, 1.0)
    big_t = jnp.clip(big_ref[1:2, :] + ftb, 0.0, 1.0)
    xu = jnp.where(is_big, big_u, xu)
    xt = jnp.where(is_big, big_t, xt)

    h = (jax.lax.dot_general(xu, w1a_ref[...], (((1,), (1,)), ((), ())),
                             precision=_MLP_PREC, preferred_element_type=jnp.float32)
         + jax.lax.dot_general(xt, w1b_ref[...], (((1,), (1,)), ((), ())),
                               precision=_MLP_PREC, preferred_element_type=jnp.float32)
         + b1_ref[...])
    h = jnp.clip(h, 0.0, 1.0)
    h = jax.lax.dot_general(h, w2_ref[...], (((1,), (1,)), ((), ())),
                            precision=_MLP_PREC, preferred_element_type=jnp.float32)
    h = jnp.clip(h + b2_ref[...], 0.0, 1.0)
    o = jnp.sum(h * ow_ref[...], axis=1, keepdims=True) + ob_ref[...]
    out_ref[...] = o


def _tc_mlp(us_rows, them_rows, big, ft_bias, fc1_w, fc1_b, fc2_w, fc2_b,
            out_w, out_b):
    return pl.pallas_call(
        _mlp_body,
        grid=(B // _BM,),
        in_specs=[
            pl.BlockSpec((_BM, D), lambda i: (i, 0)),
            pl.BlockSpec((_BM, D), lambda i: (i, 0)),
            pl.BlockSpec((2, D), lambda i: (0, 0)),
            pl.BlockSpec((1, D), lambda i: (0, 0)),
            pl.BlockSpec((128, D), lambda i: (0, 0)),
            pl.BlockSpec((128, D), lambda i: (0, 1)),
            pl.BlockSpec((1, 128), lambda i: (0, 0)),
            pl.BlockSpec((128, 128), lambda i: (0, 0)),
            pl.BlockSpec((1, 128), lambda i: (0, 0)),
            pl.BlockSpec((1, 128), lambda i: (0, 0)),
            pl.BlockSpec((1, 1), lambda i: (0, 0)),
        ],
        out_specs=pl.BlockSpec((_BM, 1), lambda i: (i, 0)),
        out_shape=jax.ShapeDtypeStruct((B, 1), jnp.float32),
    )(us_rows, them_rows, big, ft_bias.reshape(1, D), fc1_w, fc1_w,
      fc1_b.reshape(1, 128), fc2_w, fc2_b.reshape(1, 128), out_w,
      out_b.reshape(1, 1))


def kernel(us_indices, us_offsets, them_indices, them_offsets,
           ft_weight, ft_bias, fc1_w, fc1_b, fc2_w, fc2_b, out_w, out_b):
    del us_offsets, them_offsets
    hist = _sc_hist(us_indices, them_indices)
    us_rows, them_rows = _sc_gather(ft_weight, us_indices, them_indices)
    big = _tc_matvec(hist, ft_weight)
    return _tc_mlp(us_rows, them_rows, big, ft_bias, fc1_w, fc1_b,
                   fc2_w, fc2_b, out_w, out_b)

# --- scband reference (transcript-rebuilt; emitter-appended) ---
"""Pipeline reference for scband-half-kp-56916906606731 (READ-ONLY COPY).

The authoritative reference and input builder live on the scoring server;
editing this copy changes nothing except your own understanding.
"""

import jax, jax.numpy as jnp
import numpy as np

B = 16384
N = B * 32
NUM_FEATS = 41024
FT_DIM = 256


def setup_inputs(seed: int = 0) -> dict:
    key = jax.random.key(seed)
    ks = jax.random.split(key, 12)
    us_indices = jax.random.randint(ks[0], (N,), 0, NUM_FEATS, dtype=jnp.int32)
    them_indices = jax.random.randint(ks[1], (N,), 0, NUM_FEATS, dtype=jnp.int32)
    us_offsets = jnp.arange(B, dtype=jnp.int32)
    them_offsets = jnp.arange(B, dtype=jnp.int32)
    ft_weight = jax.random.normal(ks[2], (NUM_FEATS, FT_DIM), dtype=jnp.float32) * float(np.sqrt(2.0 / FT_DIM))
    ft_bias = jnp.zeros((FT_DIM,), dtype=jnp.float32)
    fc1_w = jax.random.normal(ks[3], (128, 512), dtype=jnp.float32) * float(np.sqrt(2.0 / 512))
    fc1_b = jnp.zeros((128,), dtype=jnp.float32)
    fc2_w = jax.random.normal(ks[4], (128, 128), dtype=jnp.float32) * float(np.sqrt(2.0 / 128))
    fc2_b = jnp.zeros((128,), dtype=jnp.float32)
    out_w = jax.random.normal(ks[5], (1, 128), dtype=jnp.float32) * float(np.sqrt(2.0 / (128 + 1)))
    out_b = jnp.zeros((1,), dtype=jnp.float32)
    return {
        "us_indices": us_indices,
        "us_offsets": us_offsets,
        "them_indices": them_indices,
        "them_offsets": them_offsets,
        "ft_weight": ft_weight,
        "ft_bias": ft_bias,
        "fc1_w": fc1_w,
        "fc1_b": fc1_b,
        "fc2_w": fc2_w,
        "fc2_b": fc2_b,
        "out_w": out_w,
        "out_b": out_b,
    }


def _bag_sum(table, indices, offsets):
    # EmbeddingBag(mode='sum') semantics: bag i sums table rows for
    # indices[offsets[i]:offsets[i+1]] (last bag runs to the end).
    n = indices.shape[0]
    num_bags = offsets.shape[0]
    seg = jnp.searchsorted(offsets, jnp.arange(n, dtype=offsets.dtype), side="right") - 1
    gathered = jnp.take(table, indices, axis=0)
    return jax.ops.segment_sum(gathered, seg, num_segments=num_bags)


def reference(us_indices, us_offsets, them_indices, them_offsets,
              ft_weight, ft_bias, fc1_w, fc1_b, fc2_w, fc2_b, out_w, out_b):
    us_accum = _bag_sum(ft_weight, us_indices, us_offsets) + ft_bias
    them_accum = _bag_sum(ft_weight, them_indices, them_offsets) + ft_bias
    us_accum = jnp.clip(us_accum, 0.0, 1.0)
    them_accum = jnp.clip(them_accum, 0.0, 1.0)
    x = jnp.concatenate([us_accum, them_accum], axis=1)
    x = jnp.clip(x @ fc1_w.T + fc1_b, 0.0, 1.0)
    x = jnp.clip(x @ fc2_w.T + fc2_b, 0.0, 1.0)
    x = x @ out_w.T + out_b
    return x

if __name__ == "__main__":
    import jax
    _d = setup_inputs()
    print(jax.jit(kernel)(*tuple(_d.values())))

</pallas_src>

<mosaic_0001>
#map = affine_map<(d0, d1) -> (0, 0)>
#map1 = affine_map<(d0, d1) -> (0)>
module attributes {stable_mosaic.version = 14 : i64} {
  func.func @_sc_gather(%arg0: i32, %arg1: i32, %arg2: memref<41024x256xf32, #tpu.memory_space<hbm>>, %arg3: memref<524288xi32, #tpu.memory_space<hbm>>, %arg4: memref<524288xi32, #tpu.memory_space<hbm>>, %arg5: memref<16384x256xf32, #tpu.memory_space<hbm>>, %arg6: memref<16384x256xf32, #tpu.memory_space<hbm>>, %arg7: memref<512xi32, #tpu.memory_space<vmem>>, %arg8: memref<512xi32, #tpu.memory_space<vmem>>, %arg9: memref<128x256xf32, #tpu.memory_space<vmem>>, %arg10: memref<128x256xf32, #tpu.memory_space<vmem>>, %arg11: memref<!tpu.dma_semaphore, #tpu.memory_space<semaphore_mem>>, %arg12: memref<!tpu.dma_semaphore, #tpu.memory_space<semaphore_mem>>, %arg13: memref<!tpu.dma_semaphore, #tpu.memory_space<semaphore_mem>>, %arg14: memref<!tpu.dma_semaphore, #tpu.memory_space<semaphore_mem>>) attributes {dimension_semantics = [#tpu.dimension_semantics<core_parallel>, #tpu.dimension_semantics<subcore_parallel>], iteration_bounds = array<i64: 2, 16>, scalar_prefetch = 0 : i64, scratch_operands = 8 : i64, tpu.core_type = #tpu.core_type<sc_vector_subcore>, window_params = [{transform_indices = #map}, {transform_indices = #map1}, {transform_indices = #map1}, {transform_indices = #map}, {transform_indices = #map}]} {
    %mul3A = arith.constant 2 : i32
    %mul3A_0 = arith.muli %arg1, %mul3A : i32
    %add3A = arith.addi %mul3A_0, %arg0 : i32
    %mul3A_1 = arith.constant 512 : i32
    %mul3A_2 = arith.muli %add3A, %mul3A_1 : i32
    "tpu.region"() ({
      %run_scoped3A = tpu.sem_alloc : memref<!tpu.dma_semaphore, #tpu.memory_space<semaphore_mem>>
      %dma_start3A_161 = tpu.memref_slice %arg3[%mul3A_2] : memref<524288xi32, #tpu.memory_space<hbm>> -> memref<512xi32, #tpu.memory_space<hbm>>
      %dma_start3A_162 = tpu.memref_slice %arg3[%mul3A_2] : memref<524288xi32, #tpu.memory_space<hbm>> -> memref<512xi32, #tpu.memory_space<hbm>>
      tpu.enqueue_dma source(%dma_start3A_162 : memref<512xi32, #tpu.memory_space<hbm>>) target(%arg7 : memref<512xi32, #tpu.memory_space<vmem>>) target_semaphore(%run_scoped3A : memref<!tpu.dma_semaphore, #tpu.memory_space<semaphore_mem>>)
      %dma_wait3A_163 = tpu.memref_slice %arg3[%mul3A_2] : memref<524288xi32, #tpu.memory_space<hbm>> -> memref<512xi32, #tpu.memory_space<hbm>>
      %dma_wait3A_164 = tpu.memref_slice %arg3[%mul3A_2] : memref<524288xi32, #tpu.memory_space<hbm>> -> memref<512xi32, #tpu.memory_space<hbm>>
      tpu.wait_dma2 semaphore(%run_scoped3A : memref<!tpu.dma_semaphore, #tpu.memory_space<semaphore_mem>>) src(%dma_wait3A_164 : memref<512xi32, #tpu.memory_space<hbm>>) dst(%arg7 : memref<512xi32, #tpu.memory_space<vmem>>)
      tpu.yield
    }) : () -> ()
    "tpu.region"() ({
      %run_scoped3A = tpu.sem_alloc : memref<!tpu.dma_semaphore, #tpu.memory_space<semaphore_mem>>
      %dma_start3A_161 = tpu.memref_slice %arg4[%mul3A_2] : memref<524288xi32, #tpu.memory_space<hbm>> -> memref<512xi32, #tpu.memory_space<hbm>>
      %dma_start3A_162 = tpu.memref_slice %arg4[%mul3A_2] : memref<524288xi32, #tpu.memory_space<hbm>> -> memref<512xi32, #tpu.memory_space<hbm>>
      tpu.enqueue_dma source(%dma_start3A_162 : memref<512xi32, #tpu.memory_space<hbm>>) target(%arg8 : memref<512xi32, #tpu.memory_space<vmem>>) target_semaphore(%run_scoped3A : memref<!tpu.dma_semaphore, #tpu.memory_space<semaphore_mem>>)
      %dma_wait3A_163 = tpu.memref_slice %arg4[%mul3A_2] : memref<524288xi32, #tpu.memory_space<hbm>> -> memref<512xi32, #tpu.memory_space<hbm>>
      %dma_wait3A_164 = tpu.memref_slice %arg4[%mul3A_2] : memref<524288xi32, #tpu.memory_space<hbm>> -> memref<512xi32, #tpu.memory_space<hbm>>
      tpu.wait_dma2 semaphore(%run_scoped3A : memref<!tpu.dma_semaphore, #tpu.memory_space<semaphore_mem>>) src(%dma_wait3A_164 : memref<512xi32, #tpu.memory_space<hbm>>) dst(%arg8 : memref<512xi32, #tpu.memory_space<vmem>>)
      tpu.yield
    }) : () -> ()
    %dma_start3A = arith.constant 0 : i32
    %dma_start3A_3 = tpu.memref_slice %arg7[%dma_start3A] : memref<512xi32, #tpu.memory_space<vmem>> -> memref<128xi32, #tpu.memory_space<vmem>>
    %dma_start3A_4 = arith.constant 0 : i32
    %dma_start3A_5 = arith.constant 0 : i32
    %dma_start3A_6 = tpu.memref_slice %arg2[%dma_start3A_4, %dma_start3A_5] : memref<41024x256xf32, #tpu.memory_space<hbm>> -> memref<41024x256xf32, #tpu.memory_space<hbm>>
    tpu.enqueue_indirect_dma source(%dma_start3A_6 : memref<41024x256xf32, #tpu.memory_space<hbm>>) target(%arg9 : memref<128x256xf32, #tpu.memory_space<vmem>>) offsets(%dma_start3A_3 : memref<128xi32, #tpu.memory_space<vmem>>) semaphore(%arg11 : memref<!tpu.dma_semaphore, #tpu.memory_space<semaphore_mem>>)
    %dma_wait3A = arith.constant 0 : i32
    %dma_wait3A_7 = tpu.memref_slice %arg7[%dma_wait3A] : memref<512xi32, #tpu.memory_space<vmem>> -> memref<128xi32, #tpu.memory_space<vmem>>
    %dma_wait3A_8 = arith.constant 0 : i32
    %dma_wait3A_9 = arith.constant 0 : i32
    %dma_wait3A_10 = tpu.memref_slice %arg2[%dma_wait3A_8, %dma_wait3A_9] : memref<41024x256xf32, #tpu.memory_space<hbm>> -> memref<41024x256xf32, #tpu.memory_space<hbm>>
    tpu.wait_indirect_dma semaphore(%arg11 : memref<!tpu.dma_semaphore, #tpu.memory_space<semaphore_mem>>) src(%dma_wait3A_10 : memref<41024x256xf32, #tpu.memory_space<hbm>>) dst(%arg9 : memref<128x256xf32, #tpu.memory_space<vmem>>)
    %add3A_11 = arith.constant 0 : i32
    %add3A_12 = arith.addi %mul3A_2, %add3A_11 : i32
    %dma_start3A_13 = arith.constant 0 : i32
    %dma_start3A_14 = tpu.memref_slice %arg5[%add3A_12, %dma_start3A_13] : memref<16384x256xf32, #tpu.memory_space<hbm>> -> memref<128x256xf32, #tpu.memory_space<hbm>>
    %dma_start3A_15 = arith.constant 0 : i32
    %dma_start3A_16 = tpu.memref_slice %arg5[%add3A_12, %dma_start3A_15] : memref<16384x256xf32, #tpu.memory_space<hbm>> -> memref<128x256xf32, #tpu.memory_space<hbm>>
    tpu.enqueue_dma source(%arg9 : memref<128x256xf32, #tpu.memory_space<vmem>>) target(%dma_start3A_16 : memref<128x256xf32, #tpu.memory_space<hbm>>) target_semaphore(%arg13 : memref<!tpu.dma_semaphore, #tpu.memory_space<semaphore_mem>>)
    %dma_start3A_17 = arith.constant 128 : i32
    %dma_start3A_18 = tpu.memref_slice %arg7[%dma_start3A_17] : memref<512xi32, #tpu.memory_space<vmem>> -> memref<128xi32, #tpu.memory_space<vmem>>
    %dma_start3A_19 = arith.constant 0 : i32
    %dma_start3A_20 = arith.constant 0 : i32
    %dma_start3A_21 = tpu.memref_slice %arg2[%dma_start3A_19, %dma_start3A_20] : memref<41024x256xf32, #tpu.memory_space<hbm>> -> memref<41024x256xf32, #tpu.memory_space<hbm>>
    tpu.enqueue_indirect_dma source(%dma_start3A_21 : memref<41024x256xf32, #tpu.memory_space<hbm>>) target(%arg10 : memref<128x256xf32, #tpu.memory_space<vmem>>) offsets(%dma_start3A_18 : memref<128xi32, #tpu.memory_space<vmem>>) semaphore(%arg12 : memref<!tpu.dma_semaphore, #tpu.memory_space<semaphore_mem>>)
    %dma_wait3A_22 = arith.constant 128 : i32
    %dma_wait3A_23 = tpu.memref_slice %arg7[%dma_wait3A_22] : memref<512xi32, #tpu.memory_space<vmem>> -> memref<128xi32, #tpu.memory_space<vmem>>
    %dma_wait3A_24 = arith.constant 0 : i32
    %dma_wait3A_25 = arith.constant 0 : i32
    %dma_wait3A_26 = tpu.memref_slice %arg2[%dma_wait3A_24, %dma_wait3A_25] : memref<41024x256xf32, #tpu.memory_space<hbm>> -> memref<41024x256xf32, #tpu.memory_space<hbm>>
    tpu.wait_indirect_dma semaphore(%arg12 : memref<!tpu.dma_semaphore, #tpu.memory_space<semaphore_mem>>) src(%dma_wait3A_26 : memref<41024x256xf32, #tpu.memory_space<hbm>>) dst(%arg10 : memref<128x256xf32, #tpu.memory_space<vmem>>)
    %add3A_27 = arith.constant 128 : i32
    %add3A_28 = arith.addi %mul3A_2, %add3A_27 : i32
    %dma_start3A_29 = arith.constant 0 : i32
    %dma_start3A_30 = tpu.memref_slice %arg5[%add3A_28, %dma_start3A_29] : memref<16384x256xf32, #tpu.memory_space<hbm>> -> memref<128x256xf32, #tpu.memory_space<hbm>>
    %dma_start3A_31 = arith.constant 0 : i32
    %dma_start3A_32 = tpu.memref_slice %arg5[%add3A_28, %dma_start3A_31] : memref<16384x256xf32, #tpu.memory_space<hbm>> -> memref<128x256xf32, #tpu.memory_space<hbm>>
    tpu.enqueue_dma source(%arg10 : memref<128x256xf32, #tpu.memory_space<vmem>>) target(%dma_start3A_32 : memref<128x256xf32, #tpu.memory_space<hbm>>) target_semaphore(%arg14 : memref<!tpu.dma_semaphore, #tpu.memory_space<semaphore_mem>>)
    %dma_wait3A_33 = arith.constant 0 : i32
    %dma_wait3A_34 = tpu.memref_slice %arg5[%add3A_12, %dma_wait3A_33] : memref<16384x256xf32, #tpu.memory_space<hbm>> -> memref<128x256xf32, #tpu.memory_space<hbm>>
    %dma_wait3A_35 = arith.constant 0 : i32
    %dma_wait3A_36 = tpu.memref_slice %arg5[%add3A_12, %dma_wait3A_35] : memref<16384x256xf32, #tpu.memory_space<hbm>> -> memref<128x256xf32, #tpu.memory_space<hbm>>
    tpu.wait_dma2 semaphore(%arg13 : memref<!tpu.dma_semaphore, #tpu.memory_space<semaphore_mem>>) src(%arg9 : memref<128x256xf32, #tpu.memory_space<vmem>>) dst(%dma_wait3A_36 : memref<128x256xf32, #tpu.memory_space<hbm>>)
    %dma_start3A_37 = arith.constant 256 : i32
    %dma_start3A_38 = tpu.memref_slice %arg7[%dma_start3A_37] : memref<512xi32, #tpu.memory_space<vmem>> -> memref<128xi32, #tpu.memory_space<vmem>>
    %dma_start3A_39 = arith.constant 0 : i32
    %dma_start3A_40 = arith.constant 0 : i32
    %dma_start3A_41 = tpu.memref_slice %arg2[%dma_start3A_39, %dma_start3A_40] : memref<41024x256xf32, #tpu.memory_space<hbm>> -> memref<41024x256xf32, #tpu.memory_space<hbm>>
    tpu.enqueue_indirect_dma source(%dma_start3A_41 : memref<41024x256xf32, #tpu.memory_space<hbm>>) target(%arg9 : memref<128x256xf32, #tpu.memory_space<vmem>>) offsets(%dma_start3A_38 : memref<128xi32, #tpu.memory_space<vmem>>) semaphore(%arg11 : memref<!tpu.dma_semaphore, #tpu.memory_space<semaphore_mem>>)
    %dma_wait3A_42 = arith.constant 256 : i32
    %dma_wait3A_43 = tpu.memref_slice %arg7[%dma_wait3A_42] : memref<512xi32, #tpu.memory_space<vmem>> -> memref<128xi32, #tpu.memory_space<vmem>>
    %dma_wait3A_44 = arith.constant 0 : i32
    %dma_wait3A_45 = arith.constant 0 : i32
    %dma_wait3A_46 = tpu.memref_slice %arg2[%dma_wait3A_44, %dma_wait3A_45] : memref<41024x256xf32, #tpu.memory_space<hbm>> -> memref<41024x256xf32, #tpu.memory_space<hbm>>
    tpu.wait_indirect_dma semaphore(%arg11 : memref<!tpu.dma_semaphore, #tpu.memory_space<semaphore_mem>>) src(%dma_wait3A_46 : memref<41024x256xf32, #tpu.memory_space<hbm>>) dst(%arg9 : memref<128x256xf32, #tpu.memory_space<vmem>>)
    %add3A_47 = arith.constant 256 : i32
    %add3A_48 = arith.addi %mul3A_2, %add3A_47 : i32
    %dma_start3A_49 = arith.constant 0 : i32
    %dma_start3A_50 = tpu.memref_slice %arg5[%add3A_48, %dma_start3A_49] : memref<16384x256xf32, #tpu.memory_space<hbm>> -> memref<128x256xf32, #tpu.memory_space<hbm>>
    %dma_start3A_51 = arith.constant 0 : i32
    %dma_start3A_52 = tpu.memref_slice %arg5[%add3A_48, %dma_start3A_51] : memref<16384x256xf32, #tpu.memory_space<hbm>> -> memref<128x256xf32, #tpu.memory_space<hbm>>
    tpu.enqueue_dma source(%arg9 : memref<128x256xf32, #tpu.memory_space<vmem>>) target(%dma_start3A_52 : memref<128x256xf32, #tpu.memory_space<hbm>>) target_semaphore(%arg13 : memref<!tpu.dma_semaphore, #tpu.memory_space<semaphore_mem>>)
    %dma_wait3A_53 = arith.constant 0 : i32
    %dma_wait3A_54 = tpu.memref_slice %arg5[%add3A_28, %dma_wait3A_53] : memref<16384x256xf32, #tpu.memory_space<hbm>> -> memref<128x256xf32, #tpu.memory_space<hbm>>
    %dma_wait3A_55 = arith.constant 0 : i32
    %dma_wait3A_56 = tpu.memref_slice %arg5[%add3A_28, %dma_wait3A_55] : memref<16384x256xf32, #tpu.memory_space<hbm>> -> memref<128x256xf32, #tpu.memory_space<hbm>>
    tpu.wait_dma2 semaphore(%arg14 : memref<!tpu.dma_semaphore, #tpu.memory_space<semaphore_mem>>) src(%arg10 : memref<128x256xf32, #tpu.memory_space<vmem>>) dst(%dma_wait3A_56 : memref<128x256xf32, #tpu.memory_space<hbm>>)
    %dma_start3A_57 = arith.constant 384 : i32
    %dma_start3A_58 = tpu.memref_slice %arg7[%dma_start3A_57] : memref<512xi32, #tpu.memory_space<vmem>> -> memref<128xi32, #tpu.memory_space<vmem>>
    %dma_start3A_59 = arith.constant 0 : i32
    %dma_start3A_60 = arith.constant 0 : i32
    %dma_start3A_61 = tpu.memref_slice %arg2[%dma_start3A_59, %dma_start3A_60] : memref<41024x256xf32, #tpu.memory_space<hbm>> -> memref<41024x256xf32, #tpu.memory_space<hbm>>
    tpu.enqueue_indirect_dma source(%dma_start3A_61 : memref<41024x256xf32, #tpu.memory_space<hbm>>) target(%arg10 : memref<128x256xf32, #tpu.memory_space<vmem>>) offsets(%dma_start3A_58 : memref<128xi32, #tpu.memory_space<vmem>>) semaphore(%arg12 : memref<!tpu.dma_semaphore, #tpu.memory_space<semaphore_mem>>)
    %dma_wait3A_62 = arith.constant 384 : i32
    %dma_wait3A_63 = tpu.memref_slice %arg7[%dma_wait3A_62] : memref<512xi32, #tpu.memory_space<vmem>> -> memref<128xi32, #tpu.memory_space<vmem>>
    %dma_wait3A_64 = arith.constant 0 : i32
    %dma_wait3A_65 = arith.constant 0 : i32
    %dma_wait3A_66 = tpu.memref_slice %arg2[%dma_wait3A_64, %dma_wait3A_65] : memref<41024x256xf32, #tpu.memory_space<hbm>> -> memref<41024x256xf32, #tpu.memory_space<hbm>>
    tpu.wait_indirect_dma semaphore(%arg12 : memref<!tpu.dma_semaphore, #tpu.memory_space<semaphore_mem>>) src(%dma_wait3A_66 : memref<41024x256xf32, #tpu.memory_space<hbm>>) dst(%arg10 : memref<128x256xf32, #tpu.memory_space<vmem>>)
    %add3A_67 = arith.constant 384 : i32
    %add3A_68 = arith.addi %mul3A_2, %add3A_67 : i32
    %dma_start3A_69 = arith.constant 0 : i32
    %dma_start3A_70 = tpu.memref_slice %arg5[%add3A_68, %dma_start3A_69] : memref<16384x256xf32, #tpu.memory_space<hbm>> -> memref<128x256xf32, #tpu.memory_space<hbm>>
    %dma_start3A_71 = arith.constant 0 : i32
    %dma_start3A_72 = tpu.memref_slice %arg5[%add3A_68, %dma_start3A_71] : memref<16384x256xf32, #tpu.memory_space<hbm>> -> memref<128x256xf32, #tpu.memory_space<hbm>>
    tpu.enqueue_dma source(%arg10 : memref<128x256xf32, #tpu.memory_space<vmem>>) target(%dma_start3A_72 : memref<128x256xf32, #tpu.memory_space<hbm>>) target_semaphore(%arg14 : memref<!tpu.dma_semaphore, #tpu.memory_space<semaphore_mem>>)
    %dma_wait3A_73 = arith.constant 0 : i32
    %dma_wait3A_74 = tpu.memref_slice %arg5[%add3A_48, %dma_wait3A_73] : memref<16384x256xf32, #tpu.memory_space<hbm>> -> memref<128x256xf32, #tpu.memory_space<hbm>>
    %dma_wait3A_75 = arith.constant 0 : i32
    %dma_wait3A_76 = tpu.memref_slice %arg5[%add3A_48, %dma_wait3A_75] : memref<16384x256xf32, #tpu.memory_space<hbm>> -> memref<128x256xf32, #tpu.memory_space<hbm>>
    tpu.wait_dma2 semaphore(%arg13 : memref<!tpu.dma_semaphore, #tpu.memory_space<semaphore_mem>>) src(%arg9 : memref<128x256xf32, #tpu.memory_space<vmem>>) dst(%dma_wait3A_76 : memref<128x256xf32, #tpu.memory_space<hbm>>)
    %dma_start3A_77 = arith.constant 0 : i32
    %dma_start3A_78 = tpu.memref_slice %arg8[%dma_start3A_77] : memref<512xi32, #tpu.memory_space<vmem>> -> memref<128xi32, #tpu.memory_space<vmem>>
    %dma_start3A_79 = arith.constant 0 : i32
    %dma_start3A_80 = arith.constant 0 : i32
    %dma_start3A_81 = tpu.memref_slice %arg2[%dma_start3A_79, %dma_start3A_80] : memref<41024x256xf32, #tpu.memory_space<hbm>> -> memref<41024x256xf32, #tpu.memory_space<hbm>>
    tpu.enqueue_indirect_dma source(%dma_start3A_81 : memref<41024x256xf32, #tpu.memory_space<hbm>>) target(%arg9 : memref<128x256xf32, #tpu.memory_space<vmem>>) offsets(%dma_start3A_78 : memref<128xi32, #tpu.memory_space<vmem>>) semaphore(%arg11 : memref<!tpu.dma_semaphore, #tpu.memory_space<semaphore_mem>>)
    %dma_wait3A_82 = arith.constant 0 : i32
    %dma_wait3A_83 = tpu.memref_slice %arg8[%dma_wait3A_82] : memref<512xi32, #tpu.memory_space<vmem>> -> memref<128xi32, #tpu.memory_space<vmem>>
    %dma_wait3A_84 = arith.constant 0 : i32
    %dma_wait3A_85 = arith.constant 0 : i32
    %dma_wait3A_86 = tpu.memref_slice %arg2[%dma_wait3A_84, %dma_wait3A_85] : memref<41024x256xf32, #tpu.memory_space<hbm>> -> memref<41024x256xf32, #tpu.memory_space<hbm>>
    tpu.wait_indirect_dma semaphore(%arg11 : memref<!tpu.dma_semaphore, #tpu.memory_space<semaphore_mem>>) src(%dma_wait3A_86 : memref<41024x256xf32, #tpu.memory_space<hbm>>) dst(%arg9 : memref<128x256xf32, #tpu.memory_space<vmem>>)
    %add3A_87 = arith.constant 0 : i32
    %add3A_88 = arith.addi %mul3A_2, %add3A_87 : i32
    %dma_start3A_89 = arith.constant 0 : i32
    %dma_start3A_90 = tpu.memref_slice %arg6[%add3A_88, %dma_start3A_89] : memref<16384x256xf32, #tpu.memory_space<hbm>> -> memref<128x256xf32, #tpu.memory_space<hbm>>
    %dma_start3A_91 = arith.constant 0 : i32
    %dma_start3A_92 = tpu.memref_slice %arg6[%add3A_88, %dma_start3A_91] : memref<16384x256xf32, #tpu.memory_space<hbm>> -> memref<128x256xf32, #tpu.memory_space<hbm>>
    tpu.enqueue_dma source(%arg9 : memref<128x256xf32, #tpu.memory_space<vmem>>) target(%dma_start3A_92 : memref<128x256xf32, #tpu.memory_space<hbm>>) target_semaphore(%arg13 : memref<!tpu.dma_semaphore, #tpu.memory_space<semaphore_mem>>)
    %dma_wait3A_93 = arith.constant 0 : i32
    %dma_wait3A_94 = tpu.memref_slice %arg5[%add3A_68, %dma_wait3A_93] : memref<16384x256xf32, #tpu.memory_space<hbm>> -> memref<128x256xf32, #tpu.memory_space<hbm>>
    %dma_wait3A_95 = arith.constant 0 : i32
    %dma_wait3A_96 = tpu.memref_slice %arg5[%add3A_68, %dma_wait3A_95] : memref<16384x256xf32, #tpu.memory_space<hbm>> -> memref<128x256xf32, #tpu.memory_space<hbm>>
    tpu.wait_dma2 semaphore(%arg14 : memref<!tpu.dma_semaphore, #tpu.memory_space<semaphore_mem>>) src(%arg10 : memref<128x256xf32, #tpu.memory_space<vmem>>) dst(%dma_wait3A_96 : memref<128x256xf32, #tpu.memory_space<hbm>>)
    %dma_start3A_97 = arith.constant 128 : i32
    %dma_start3A_98 = tpu.memref_slice %arg8[%dma_start3A_97] : memref<512xi32, #tpu.memory_space<vmem>> -> memref<128xi32, #tpu.memory_space<vmem>>
    %dma_start3A_99 = arith.constant 0 : i32
    %dma_start3A_100 = arith.constant 0 : i32
    %dma_start3A_101 = tpu.memref_slice %arg2[%dma_start3A_99, %dma_start3A_100] : memref<41024x256xf32, #tpu.memory_space<hbm>> -> memref<41024x256xf32, #tpu.memory_space<hbm>>
    tpu.enqueue_indirect_dma source(%dma_start3A_101 : memref<41024x256xf32, #tpu.memory_space<hbm>>) target(%arg10 : memref<128x256xf32, #tpu.memory_space<vmem>>) offsets(%dma_start3A_98 : memref<128xi32, #tpu.memory_space<vmem>>) semaphore(%arg12 : memref<!tpu.dma_semaphore, #tpu.memory_space<semaphore_mem>>)
    %dma_wait3A_102 = arith.constant 128 : i32
    %dma_wait3A_103 = tpu.memref_slice %arg8[%dma_wait3A_102] : memref<512xi32, #tpu.memory_space<vmem>> -> memref<128xi32, #tpu.memory_space<vmem>>
    %dma_wait3A_104 = arith.constant 0 : i32
    %dma_wait3A_105 = arith.constant 0 : i32
    %dma_wait3A_106 = tpu.memref_slice %arg2[%dma_wait3A_104, %dma_wait3A_105] : memref<41024x256xf32, #tpu.memory_space<hbm>> -> memref<41024x256xf32, #tpu.memory_space<hbm>>
    tpu.wait_indirect_dma semaphore(%arg12 : memref<!tpu.dma_semaphore, #tpu.memory_space<semaphore_mem>>) src(%dma_wait3A_106 : memref<41024x256xf32, #tpu.memory_space<hbm>>) dst(%arg10 : memref<128x256xf32, #tpu.memory_space<vmem>>)
    %add3A_107 = arith.constant 128 : i32
    %add3A_108 = arith.addi %mul3A_2, %add3A_107 : i32
    %dma_start3A_109 = arith.constant 0 : i32
    %dma_start3A_110 = tpu.memref_slice %arg6[%add3A_108, %dma_start3A_109] : memref<16384x256xf32, #tpu.memory_space<hbm>> -> memref<128x256xf32, #tpu.memory_space<hbm>>
    %dma_start3A_111 = arith.constant 0 : i32
    %dma_start3A_112 = tpu.memref_slice %arg6[%add3A_108, %dma_start3A_111] : memref<16384x256xf32, #tpu.memory_space<hbm>> -> memref<128x256xf32, #tpu.memory_space<hbm>>
    tpu.enqueue_dma source(%arg10 : memref<128x256xf32, #tpu.memory_space<vmem>>) target(%dma_start3A_112 : memref<128x256xf32, #tpu.memory_space<hbm>>) target_semaphore(%arg14 : memref<!tpu.dma_semaphore, #tpu.memory_space<semaphore_mem>>)
    %dma_wait3A_113 = arith.constant 0 : i32
    %dma_wait3A_114 = tpu.memref_slice %arg6[%add3A_88, %dma_wait3A_113] : memref<16384x256xf32, #tpu.memory_space<hbm>> -> memref<128x256xf32, #tpu.memory_space<hbm>>
    %dma_wait3A_115 = arith.constant 0 : i32
    %dma_wait3A_116 = tpu.memref_slice %arg6[%add3A_88, %dma_wait3A_115] : memref<16384x256xf32, #tpu.memory_space<hbm>> -> memref<128x256xf32, #tpu.memory_space<hbm>>
    tpu.wait_dma2 semaphore(%arg13 : memref<!tpu.dma_semaphore, #tpu.memory_space<semaphore_mem>>) src(%arg9 : memref<128x256xf32, #tpu.memory_space<vmem>>) dst(%dma_wait3A_116 : memref<128x256xf32, #tpu.memory_space<hbm>>)
    %dma_start3A_117 = arith.constant 256 : i32
    %dma_start3A_118 = tpu.memref_slice %arg8[%dma_start3A_117] : memref<512xi32, #tpu.memory_space<vmem>> -> memref<128xi32, #tpu.memory_space<vmem>>
    %dma_start3A_119 = arith.constant 0 : i32
    %dma_start3A_120 = arith.constant 0 : i32
    %dma_start3A_121 = tpu.memref_slice %arg2[%dma_start3A_119, %dma_start3A_120] : memref<41024x256xf32, #tpu.memory_space<hbm>> -> memref<41024x256xf32, #tpu.memory_space<hbm>>
    tpu.enqueue_indirect_dma source(%dma_start3A_121 : memref<41024x256xf32, #tpu.memory_space<hbm>>) target(%arg9 : memref<128x256xf32, #tpu.memory_space<vmem>>) offsets(%dma_start3A_118 : memref<128xi32, #tpu.memory_space<vmem>>) semaphore(%arg11 : memref<!tpu.dma_semaphore, #tpu.memory_space<semaphore_mem>>)
    %dma_wait3A_122 = arith.constant 256 : i32
    %dma_wait3A_123 = tpu.memref_slice %arg8[%dma_wait3A_122] : memref<512xi32, #tpu.memory_space<vmem>> -> memref<128xi32, #tpu.memory_space<vmem>>
    %dma_wait3A_124 = arith.constant 0 : i32
    %dma_wait3A_125 = arith.constant 0 : i32
    %dma_wait3A_126 = tpu.memref_slice %arg2[%dma_wait3A_124, %dma_wait3A_125] : memref<41024x256xf32, #tpu.memory_space<hbm>> -> memref<41024x256xf32, #tpu.memory_space<hbm>>
    tpu.wait_indirect_dma semaphore(%arg11 : memref<!tpu.dma_semaphore, #tpu.memory_space<semaphore_mem>>) src(%dma_wait3A_126 : memref<41024x256xf32, #tpu.memory_space<hbm>>) dst(%arg9 : memref<128x256xf32, #tpu.memory_space<vmem>>)
    %add3A_127 = arith.constant 256 : i32
    %add3A_128 = arith.addi %mul3A_2, %add3A_127 : i32
    %dma_start3A_129 = arith.constant 0 : i32
    %dma_start3A_130 = tpu.memref_slice %arg6[%add3A_128, %dma_start3A_129] : memref<16384x256xf32, #tpu.memory_space<hbm>> -> memref<128x256xf32, #tpu.memory_space<hbm>>
    %dma_start3A_131 = arith.constant 0 : i32
    %dma_start3A_132 = tpu.memref_slice %arg6[%add3A_128, %dma_start3A_131] : memref<16384x256xf32, #tpu.memory_space<hbm>> -> memref<128x256xf32, #tpu.memory_space<hbm>>
    tpu.enqueue_dma source(%arg9 : memref<128x256xf32, #tpu.memory_space<vmem>>) target(%dma_start3A_132 : memref<128x256xf32, #tpu.memory_space<hbm>>) target_semaphore(%arg13 : memref<!tpu.dma_semaphore, #tpu.memory_space<semaphore_mem>>)
    %dma_wait3A_133 = arith.constant 0 : i32
    %dma_wait3A_134 = tpu.memref_slice %arg6[%add3A_108, %dma_wait3A_133] : memref<16384x256xf32, #tpu.memory_space<hbm>> -> memref<128x256xf32, #tpu.memory_space<hbm>>
    %dma_wait3A_135 = arith.constant 0 : i32
    %dma_wait3A_136 = tpu.memref_slice %arg6[%add3A_108, %dma_wait3A_135] : memref<16384x256xf32, #tpu.memory_space<hbm>> -> memref<128x256xf32, #tpu.memory_space<hbm>>
    tpu.wait_dma2 semaphore(%arg14 : memref<!tpu.dma_semaphore, #tpu.memory_space<semaphore_mem>>) src(%arg10 : memref<128x256xf32, #tpu.memory_space<vmem>>) dst(%dma_wait3A_136 : memref<128x256xf32, #tpu.memory_space<hbm>>)
    %dma_start3A_137 = arith.constant 384 : i32
    %dma_start3A_138 = tpu.memref_slice %arg8[%dma_start3A_137] : memref<512xi32, #tpu.memory_space<vmem>> -> memref<128xi32, #tpu.memory_space<vmem>>
    %dma_start3A_139 = arith.constant 0 : i32
    %dma_start3A_140 = arith.constant 0 : i32
    %dma_start3A_141 = tpu.memref_slice %arg2[%dma_start3A_139, %dma_start3A_140] : memref<41024x256xf32, #tpu.memory_space<hbm>> -> memref<41024x256xf32, #tpu.memory_space<hbm>>
    tpu.enqueue_indirect_dma source(%dma_start3A_141 : memref<41024x256xf32, #tpu.memory_space<hbm>>) target(%arg10 : memref<128x256xf32, #tpu.memory_space<vmem>>) offsets(%dma_start3A_138 : memref<128xi32, #tpu.memory_space<vmem>>) semaphore(%arg12 : memref<!tpu.dma_semaphore, #tpu.memory_space<semaphore_mem>>)
    %dma_wait3A_142 = arith.constant 384 : i32
    %dma_wait3A_143 = tpu.memref_slice %arg8[%dma_wait3A_142] : memref<512xi32, #tpu.memory_space<vmem>> -> memref<128xi32, #tpu.memory_space<vmem>>
    %dma_wait3A_144 = arith.constant 0 : i32
    %dma_wait3A_145 = arith.constant 0 : i32
    %dma_wait3A_146 = tpu.memref_slice %arg2[%dma_wait3A_144, %dma_wait3A_145] : memref<41024x256xf32, #tpu.memory_space<hbm>> -> memref<41024x256xf32, #tpu.memory_space<hbm>>
    tpu.wait_indirect_dma semaphore(%arg12 : memref<!tpu.dma_semaphore, #tpu.memory_space<semaphore_mem>>) src(%dma_wait3A_146 : memref<41024x256xf32, #tpu.memory_space<hbm>>) dst(%arg10 : memref<128x256xf32, #tpu.memory_space<vmem>>)
    %add3A_147 = arith.constant 384 : i32
    %add3A_148 = arith.addi %mul3A_2, %add3A_147 : i32
    %dma_start3A_149 = arith.constant 0 : i32
    %dma_start3A_150 = tpu.memref_slice %arg6[%add3A_148, %dma_start3A_149] : memref<16384x256xf32, #tpu.memory_space<hbm>> -> memref<128x256xf32, #tpu.memory_space<hbm>>
    %dma_start3A_151 = arith.constant 0 : i32
    %dma_start3A_152 = tpu.memref_slice %arg6[%add3A_148, %dma_start3A_151] : memref<16384x256xf32, #tpu.memory_space<hbm>> -> memref<128x256xf32, #tpu.memory_space<hbm>>
    tpu.enqueue_dma source(%arg10 : memref<128x256xf32, #tpu.memory_space<vmem>>) target(%dma_start3A_152 : memref<128x256xf32, #tpu.memory_space<hbm>>) target_semaphore(%arg14 : memref<!tpu.dma_semaphore, #tpu.memory_space<semaphore_mem>>)
    %dma_wait3A_153 = arith.constant 0 : i32
    %dma_wait3A_154 = tpu.memref_slice %arg6[%add3A_128, %dma_wait3A_153] : memref<16384x256xf32, #tpu.memory_space<hbm>> -> memref<128x256xf32, #tpu.memory_space<hbm>>
    %dma_wait3A_155 = arith.constant 0 : i32
    %dma_wait3A_156 = tpu.memref_slice %arg6[%add3A_128, %dma_wait3A_155] : memref<16384x256xf32, #tpu.memory_space<hbm>> -> memref<128x256xf32, #tpu.memory_space<hbm>>
    tpu.wait_dma2 semaphore(%arg13 : memref<!tpu.dma_semaphore, #tpu.memory_space<semaphore_mem>>) src(%arg9 : memref<128x256xf32, #tpu.memory_space<vmem>>) dst(%dma_wait3A_156 : memref<128x256xf32, #tpu.memory_space<hbm>>)
    %dma_wait3A_157 = arith.constant 0 : i32
    %dma_wait3A_158 = tpu.memref_slice %arg6[%add3A_148, %dma_wait3A_157] : memref<16384x256xf32, #tpu.memory_space<hbm>> -> memref<128x256xf32, #tpu.memory_space<hbm>>
    %dma_wait3A_159 = arith.constant 0 : i32
    %dma_wait3A_160 = tpu.memref_slice %arg6[%add3A_148, %dma_wait3A_159] : memref<16384x256xf32, #tpu.memory_space<hbm>> -> memref<128x256xf32, #tpu.memory_space<hbm>>
    tpu.wait_dma2 semaphore(%arg14 : memref<!tpu.dma_semaphore, #tpu.memory_space<semaphore_mem>>) src(%arg10 : memref<128x256xf32, #tpu.memory_space<vmem>>) dst(%dma_wait3A_160 : memref<128x256xf32, #tpu.memory_space<hbm>>)
    return
  }
}

#map = affine_map<(d0, d1) -> (0)>
#map1 = affine_map<(d0, d1) -> (0, 0, 0)>
module attributes {stable_mosaic.version = 14 : i64} {
  func.func @_sc_hist(%arg0: i32, %arg1: i32, %arg2: memref<524288xi32, #tpu.memory_space<hbm>>, %arg3: memref<524288xi32, #tpu.memory_space<hbm>>, %arg4: memref<2x32x41024xi32, #tpu.memory_space<hbm>>, %arg5: memref<15872xi32, #tpu.memory_space<vmem>>, %arg6: memref<15872xi32, #tpu.memory_space<vmem>>, %arg7: memref<41024xi32, #tpu.memory_space<vmem>>, %arg8: memref<41024xi32, #tpu.memory_space<vmem>>, %arg9: memref<16xi32, #tpu.memory_space<vmem>>, %arg10: memref<!tpu.dma_semaphore, #tpu.memory_space<semaphore_mem>>, %arg11: memref<!tpu.dma_semaphore, #tpu.memory_space<semaphore_mem>>, %arg12: memref<!tpu.dma_semaphore, #tpu.memory_space<semaphore_mem>>) attributes {dimension_semantics = [#tpu.dimension_semantics<core_parallel>, #tpu.dimension_semantics<subcore_parallel>], iteration_bounds = array<i64: 2, 16>, scalar_prefetch = 0 : i64, scratch_operands = 8 : i64, tpu.core_type = #tpu.core_type<sc_vector_subcore>, window_params = [{transform_indices = #map}, {transform_indices = #map}, {transform_indices = #map1}]} {
    %mul3A = arith.constant 2 : i32
    %mul3A_0 = arith.muli %arg1, %mul3A : i32
    %add3A = arith.addi %mul3A_0, %arg0 : i32
    %mul3A_1 = arith.constant 15872 : i32
    %mul3A_2 = arith.muli %add3A, %mul3A_1 : i32
    %add3A_3 = arith.constant 16384 : i32
    %add3A_4 = arith.addi %add3A_3, %mul3A_2 : i32
    %broadcast_in_dim3A = arith.constant 1 : i32
    %broadcast_in_dim3A_5 = vector.broadcast %broadcast_in_dim3A : i32 to vector<16xi32>
    %dma_start3A = tpu.memref_slice %arg2[%add3A_4] : memref<524288xi32, #tpu.memory_space<hbm>> -> memref<15872xi32, #tpu.memory_space<hbm>>
    %dma_start3A_6 = tpu.memref_slice %arg2[%add3A_4] : memref<524288xi32, #tpu.memory_space<hbm>> -> memref<15872xi32, #tpu.memory_space<hbm>>
    tpu.enqueue_dma source(%dma_start3A_6 : memref<15872xi32, #tpu.memory_space<hbm>>) target(%arg5 : memref<15872xi32, #tpu.memory_space<vmem>>) target_semaphore(%arg10 : memref<!tpu.dma_semaphore, #tpu.memory_space<semaphore_mem>>)
    %dma_start3A_7 = tpu.memref_slice %arg3[%add3A_4] : memref<524288xi32, #tpu.memory_space<hbm>> -> memref<15872xi32, #tpu.memory_space<hbm>>
    %dma_start3A_8 = tpu.memref_slice %arg3[%add3A_4] : memref<524288xi32, #tpu.memory_space<hbm>> -> memref<15872xi32, #tpu.memory_space<hbm>>
    tpu.enqueue_dma source(%dma_start3A_8 : memref<15872xi32, #tpu.memory_space<hbm>>) target(%arg6 : memref<15872xi32, #tpu.memory_space<vmem>>) target_semaphore(%arg11 : memref<!tpu.dma_semaphore, #tpu.memory_space<semaphore_mem>>)
    %scan3A = arith.constant 0 : i32
    %scan3A_9 = arith.constant 2560 : i32
    %scan3A_10 = arith.addi %scan3A, %scan3A_9 : i32
    %scan3A_11 = arith.constant 8 : i32
    scf.for %scan3A_145 = %scan3A to %scan3A_10 step %scan3A_11  : i32 {
      %mul3A_146 = arith.constant 16 : i32
      %mul3A_147 = arith.muli %scan3A_145, %mul3A_146 : i32
      %add3A_148 = arith.constant 0 : i32
      %add3A_149 = arith.addi %add3A_148, %mul3A_147 : i32
      %broadcast_in_dim3A_150 = arith.constant 0 : i32
      %broadcast_in_dim3A_151 = vector.broadcast %broadcast_in_dim3A_150 : i32 to vector<16xi32>
      %swap3A_152 = arith.index_cast %add3A_149 : i32 to index
      %swap3A_153 = tpu.vector_load %arg7[%swap3A_152] {strides = array<i32>} : memref<41024xi32, #tpu.memory_space<vmem>>, vector<16xi32>,
      tpu.vector_store %arg7[%swap3A_152], %broadcast_in_dim3A_151 {strides = array<i32>} : memref<41024xi32, #tpu.memory_space<vmem>>, vector<16xi32>,
      %scan3A_154 = arith.constant 1 : i32
      %scan3A_155 = arith.addi %scan3A_145, %scan3A_154 : i32
      %mul3A_156 = arith.constant 16 : i32
      %mul3A_157 = arith.muli %scan3A_155, %mul3A_156 : i32
      %add3A_158 = arith.constant 0 : i32
      %add3A_159 = arith.addi %add3A_158, %mul3A_157 : i32
      %broadcast_in_dim3A_160 = arith.constant 0 : i32
      %broadcast_in_dim3A_161 = vector.broadcast %broadcast_in_dim3A_160 : i32 to vector<16xi32>
      %swap3A_162 = arith.index_cast %add3A_159 : i32 to index
      %swap3A_163 = tpu.vector_load %arg7[%swap3A_162] {strides = array<i32>} : memref<41024xi32, #tpu.memory_space<vmem>>, vector<16xi32>,
      tpu.vector_store %arg7[%swap3A_162], %broadcast_in_dim3A_161 {strides = array<i32>} : memref<41024xi32, #tpu.memory_space<vmem>>, vector<16xi32>,
      %scan3A_164 = arith.constant 2 : i32
      %scan3A_165 = arith.addi %scan3A_145, %scan3A_164 : i32
      %mul3A_166 = arith.constant 16 : i32
      %mul3A_167 = arith.muli %scan3A_165, %mul3A_166 : i32
      %add3A_168 = arith.constant 0 : i32
      %add3A_169 = arith.addi %add3A_168, %mul3A_167 : i32
      %broadcast_in_dim3A_170 = arith.constant 0 : i32
      %broadcast_in_dim3A_171 = vector.broadcast %broadcast_in_dim3A_170 : i32 to vector<16xi32>
      %swap3A_172 = arith.index_cast %add3A_169 : i32 to index
      %swap3A_173 = tpu.vector_load %arg7[%swap3A_172] {strides = array<i32>} : memref<41024xi32, #tpu.memory_space<vmem>>, vector<16xi32>,
      tpu.vector_store %arg7[%swap3A_172], %broadcast_in_dim3A_171 {strides = array<i32>} : memref<41024xi32, #tpu.memory_space<vmem>>, vector<16xi32>,
      %scan3A_174 = arith.constant 3 : i32
      %scan3A_175 = arith.addi %scan3A_145, %scan3A_174 : i32
      %mul3A_176 = arith.constant 16 : i32
      %mul3A_177 = arith.muli %scan3A_175, %mul3A_176 : i32
      %add3A_178 = arith.constant 0 : i32
      %add3A_179 = arith.addi %add3A_178, %mul3A_177 : i32
      %broadcast_in_dim3A_180 = arith.constant 0 : i32
      %broadcast_in_dim3A_181 = vector.broadcast %broadcast_in_dim3A_180 : i32 to vector<16xi32>
      %swap3A_182 = arith.index_cast %add3A_179 : i32 to index
      %swap3A_183 = tpu.vector_load %arg7[%swap3A_182] {strides = array<i32>} : memref<41024xi32, #tpu.memory_space<vmem>>, vector<16xi32>,
      tpu.vector_store %arg7[%swap3A_182], %broadcast_in_dim3A_181 {strides = array<i32>} : memref<41024xi32, #tpu.memory_space<vmem>>, vector<16xi32>,
      %scan3A_184 = arith.constant 4 : i32
      %scan3A_185 = arith.addi %scan3A_145, %scan3A_184 : i32
      %mul3A_186 = arith.constant 16 : i32
      %mul3A_187 = arith.muli %scan3A_185, %mul3A_186 : i32
      %add3A_188 = arith.constant 0 : i32
      %add3A_189 = arith.addi %add3A_188, %mul3A_187 : i32
      %broadcast_in_dim3A_190 = arith.constant 0 : i32
      %broadcast_in_dim3A_191 = vector.broadcast %broadcast_in_dim3A_190 : i32 to vector<16xi32>
      %swap3A_192 = arith.index_cast %add3A_189 : i32 to index
      %swap3A_193 = tpu.vector_load %arg7[%swap3A_192] {strides = array<i32>} : memref<41024xi32, #tpu.memory_space<vmem>>, vector<16xi32>,
      tpu.vector_store %arg7[%swap3A_192], %broadcast_in_dim3A_191 {strides = array<i32>} : memref<41024xi32, #tpu.memory_space<vmem>>, vector<16xi32>,
      %scan3A_194 = arith.constant 5 : i32
      %scan3A_195 = arith.addi %scan3A_145, %scan3A_194 : i32
      %mul3A_196 = arith.constant 16 : i32
      %mul3A_197 = arith.muli %scan3A_195, %mul3A_196 : i32
      %add3A_198 = arith.constant 0 : i32
      %add3A_199 = arith.addi %add3A_198, %mul3A_197 : i32
      %broadcast_in_dim3A_200 = arith.constant 0 : i32
      %broadcast_in_dim3A_201 = vector.broadcast %broadcast_in_dim3A_200 : i32 to vector<16xi32>
      %swap3A_202 = arith.index_cast %add3A_199 : i32 to index
      %swap3A_203 = tpu.vector_load %arg7[%swap3A_202] {strides = array<i32>} : memref<41024xi32, #tpu.memory_space<vmem>>, vector<16xi32>,
      tpu.vector_store %arg7[%swap3A_202], %broadcast_in_dim3A_201 {strides = array<i32>} : memref<41024xi32, #tpu.memory_space<vmem>>, vector<16xi32>,
      %scan3A_204 = arith.constant 6 : i32
      %scan3A_205 = arith.addi %scan3A_145, %scan3A_204 : i32
      %mul3A_206 = arith.constant 16 : i32
      %mul3A_207 = arith.muli %scan3A_205, %mul3A_206 : i32
      %add3A_208 = arith.constant 0 : i32
      %add3A_209 = arith.addi %add3A_208, %mul3A_207 : i32
      %broadcast_in_dim3A_210 = arith.constant 0 : i32
      %broadcast_in_dim3A_211 = vector.broadcast %broadcast_in_dim3A_210 : i32 to vector<16xi32>
      %swap3A_212 = arith.index_cast %add3A_209 : i32 to index
      %swap3A_213 = tpu.vector_load %arg7[%swap3A_212] {strides = array<i32>} : memref<41024xi32, #tpu.memory_space<vmem>>, vector<16xi32>,
      tpu.vector_store %arg7[%swap3A_212], %broadcast_in_dim3A_211 {strides = array<i32>} : memref<41024xi32, #tpu.memory_space<vmem>>, vector<16xi32>,
      %scan3A_214 = arith.constant 7 : i32
      %scan3A_215 = arith.addi %scan3A_145, %scan3A_214 : i32
      %mul3A_216 = arith.constant 16 : i32
      %mul3A_217 = arith.muli %scan3A_215, %mul3A_216 : i32
      %add3A_218 = arith.constant 0 : i32
      %add3A_219 = arith.addi %add3A_218, %mul3A_217 : i32
      %broadcast_in_dim3A_220 = arith.constant 0 : i32
      %broadcast_in_dim3A_221 = vector.broadcast %broadcast_in_dim3A_220 : i32 to vector<16xi32>
      %swap3A_222 = arith.index_cast %add3A_219 : i32 to index
      %swap3A_223 = tpu.vector_load %arg7[%swap3A_222] {strides = array<i32>} : memref<41024xi32, #tpu.memory_space<vmem>>, vector<16xi32>,
      tpu.vector_store %arg7[%swap3A_222], %broadcast_in_dim3A_221 {strides = array<i32>} : memref<41024xi32, #tpu.memory_space<vmem>>, vector<16xi32>,
    }
    %scan3A_12 = arith.constant 2560 : i32
    %scan3A_13 = arith.addi %scan3A, %scan3A_12 : i32
    %mul3A_14 = arith.constant 16 : i32
    %mul3A_15 = arith.muli %scan3A_13, %mul3A_14 : i32
    %add3A_16 = arith.constant 0 : i32
    %add3A_17 = arith.addi %add3A_16, %mul3A_15 : i32
    %broadcast_in_dim3A_18 = arith.constant 0 : i32
    %broadcast_in_dim3A_19 = vector.broadcast %broadcast_in_dim3A_18 : i32 to vector<16xi32>
    %swap3A = arith.index_cast %add3A_17 : i32 to index
    %swap3A_20 = tpu.vector_load %arg7[%swap3A] {strides = array<i32>} : memref<41024xi32, #tpu.memory_space<vmem>>, vector<16xi32>,
    tpu.vector_store %arg7[%swap3A], %broadcast_in_dim3A_19 {strides = array<i32>} : memref<41024xi32, #tpu.memory_space<vmem>>, vector<16xi32>,
    %scan3A_21 = arith.constant 2561 : i32
    %scan3A_22 = arith.addi %scan3A, %scan3A_21 : i32
    %mul3A_23 = arith.constant 16 : i32
    %mul3A_24 = arith.muli %scan3A_22, %mul3A_23 : i32
    %add3A_25 = arith.constant 0 : i32
    %add3A_26 = arith.addi %add3A_25, %mul3A_24 : i32
    %broadcast_in_dim3A_27 = arith.constant 0 : i32
    %broadcast_in_dim3A_28 = vector.broadcast %broadcast_in_dim3A_27 : i32 to vector<16xi32>
    %swap3A_29 = arith.index_cast %add3A_26 : i32 to index
    %swap3A_30 = tpu.vector_load %arg7[%swap3A_29] {strides = array<i32>} : memref<41024xi32, #tpu.memory_space<vmem>>, vector<16xi32>,
    tpu.vector_store %arg7[%swap3A_29], %broadcast_in_dim3A_28 {strides = array<i32>} : memref<41024xi32, #tpu.memory_space<vmem>>, vector<16xi32>,
    %scan3A_31 = arith.constant 2562 : i32
    %scan3A_32 = arith.addi %scan3A, %scan3A_31 : i32
    %mul3A_33 = arith.constant 16 : i32
    %mul3A_34 = arith.muli %scan3A_32, %mul3A_33 : i32
    %add3A_35 = arith.constant 0 : i32
    %add3A_36 = arith.addi %add3A_35, %mul3A_34 : i32
    %broadcast_in_dim3A_37 = arith.constant 0 : i32
    %broadcast_in_dim3A_38 = vector.broadcast %broadcast_in_dim3A_37 : i32 to vector<16xi32>
    %swap3A_39 = arith.index_cast %add3A_36 : i32 to index
    %swap3A_40 = tpu.vector_load %arg7[%swap3A_39] {strides = array<i32>} : memref<41024xi32, #tpu.memory_space<vmem>>, vector<16xi32>,
    tpu.vector_store %arg7[%swap3A_39], %broadcast_in_dim3A_38 {strides = array<i32>} : memref<41024xi32, #tpu.memory_space<vmem>>, vector<16xi32>,
    %scan3A_41 = arith.constant 2563 : i32
    %scan3A_42 = arith.addi %scan3A, %scan3A_41 : i32
    %mul3A_43 = arith.constant 16 : i32
    %mul3A_44 = arith.muli %scan3A_42, %mul3A_43 : i32
    %add3A_45 = arith.constant 0 : i32
    %add3A_46 = arith.addi %add3A_45, %mul3A_44 : i32
    %broadcast_in_dim3A_47 = arith.constant 0 : i32
    %broadcast_in_dim3A_48 = vector.broadcast %broadcast_in_dim3A_47 : i32 to vector<16xi32>
    %swap3A_49 = arith.index_cast %add3A_46 : i32 to index
    %swap3A_50 = tpu.vector_load %arg7[%swap3A_49] {strides = array<i32>} : memref<41024xi32, #tpu.memory_space<vmem>>, vector<16xi32>,
    tpu.vector_store %arg7[%swap3A_49], %broadcast_in_dim3A_48 {strides = array<i32>} : memref<41024xi32, #tpu.memory_space<vmem>>, vector<16xi32>,
    %scan3A_51 = arith.constant 2564 : i32
    %dma_wait3A = tpu.memref_slice %arg2[%add3A_4] : memref<524288xi32, #tpu.memory_space<hbm>> -> memref<15872xi32, #tpu.memory_space<hbm>>
    %dma_wait3A_52 = tpu.memref_slice %arg2[%add3A_4] : memref<524288xi32, #tpu.memory_space<hbm>> -> memref<15872xi32, #tpu.memory_space<hbm>>
    tpu.wait_dma2 semaphore(%arg10 : memref<!tpu.dma_semaphore, #tpu.memory_space<semaphore_mem>>) src(%dma_wait3A_52 : memref<15872xi32, #tpu.memory_space<hbm>>) dst(%arg5 : memref<15872xi32, #tpu.memory_space<vmem>>)
    %scan3A_53 = arith.constant 0 : i32
    %scan3A_54 = arith.constant 992 : i32
    %scan3A_55 = arith.addi %scan3A_53, %scan3A_54 : i32
    %scan3A_56 = arith.constant 8 : i32
    scf.for %scan3A_145 = %scan3A_53 to %scan3A_55 step %scan3A_56  : i32 {
      %mul3A_146 = arith.constant 16 : i32
      %mul3A_147 = arith.muli %scan3A_145, %mul3A_146 : i32
      %add3A_148 = arith.constant 0 : i32
      %add3A_149 = arith.addi %add3A_148, %mul3A_147 : i32
      %get3A = arith.index_cast %add3A_149 : i32 to index
      %get3A_150 = tpu.vector_load %arg5[%get3A] {strides = array<i32>} : memref<15872xi32, #tpu.memory_space<vmem>>, vector<16xi32>,
      tpu.vector_store_idx %arg7[%get3A_150], %broadcast_in_dim3A_5 {add = true} : memref<41024xi32, #tpu.memory_space<vmem>>[vector<16xi32>], vector<16xi32>,
      %scan3A_151 = arith.constant 1 : i32
      %scan3A_152 = arith.addi %scan3A_145, %scan3A_151 : i32
      %mul3A_153 = arith.constant 16 : i32
      %mul3A_154 = arith.muli %scan3A_152, %mul3A_153 : i32
      %add3A_155 = arith.constant 0 : i32
      %add3A_156 = arith.addi %add3A_155, %mul3A_154 : i32
      %get3A_157 = arith.index_cast %add3A_156 : i32 to index
      %get3A_158 = tpu.vector_load %arg5[%get3A_157] {strides = array<i32>} : memref<15872xi32, #tpu.memory_space<vmem>>, vector<16xi32>,
      tpu.vector_store_idx %arg7[%get3A_158], %broadcast_in_dim3A_5 {add = true} : memref<41024xi32, #tpu.memory_space<vmem>>[vector<16xi32>], vector<16xi32>,
      %scan3A_159 = arith.constant 2 : i32
      %scan3A_160 = arith.addi %scan3A_145, %scan3A_159 : i32
      %mul3A_161 = arith.constant 16 : i32
      %mul3A_162 = arith.muli %scan3A_160, %mul3A_161 : i32
      %add3A_163 = arith.constant 0 : i32
      %add3A_164 = arith.addi %add3A_163, %mul3A_162 : i32
      %get3A_165 = arith.index_cast %add3A_164 : i32 to index
      %get3A_166 = tpu.vector_load %arg5[%get3A_165] {strides = array<i32>} : memref<15872xi32, #tpu.memory_space<vmem>>, vector<16xi32>,
      tpu.vector_store_idx %arg7[%get3A_166], %broadcast_in_dim3A_5 {add = true} : memref<41024xi32, #tpu.memory_space<vmem>>[vector<16xi32>], vector<16xi32>,
      %scan3A_167 = arith.constant 3 : i32
      %scan3A_168 = arith.addi %scan3A_145, %scan3A_167 : i32
      %mul3A_169 = arith.constant 16 : i32
      %mul3A_170 = arith.muli %scan3A_168, %mul3A_169 : i32
      %add3A_171 = arith.constant 0 : i32
      %add3A_172 = arith.addi %add3A_171, %mul3A_170 : i32
      %get3A_173 = arith.index_cast %add3A_172 : i32 to index
      %get3A_174 = tpu.vector_load %arg5[%get3A_173] {strides = array<i32>} : memref<15872xi32, #tpu.memory_space<vmem>>, vector<16xi32>,
      tpu.vector_store_idx %arg7[%get3A_174], %broadcast_in_dim3A_5 {add = true} : memref<41024xi32, #tpu.memory_space<vmem>>[vector<16xi32>], vector<16xi32>,
      %scan3A_175 = arith.constant 4 : i32
      %scan3A_176 = arith.addi %scan3A_145, %scan3A_175 : i32
      %mul3A_177 = arith.constant 16 : i32
      %mul3A_178 = arith.muli %scan3A_176, %mul3A_177 : i32
      %add3A_179 = arith.constant 0 : i32
      %add3A_180 = arith.addi %add3A_179, %mul3A_178 : i32
      %get3A_181 = arith.index_cast %add3A_180 : i32 to index
      %get3A_182 = tpu.vector_load %arg5[%get3A_181] {strides = array<i32>} : memref<15872xi32, #tpu.memory_space<vmem>>, vector<16xi32>,
      tpu.vector_store_idx %arg7[%get3A_182], %broadcast_in_dim3A_5 {add = true} : memref<41024xi32, #tpu.memory_space<vmem>>[vector<16xi32>], vector<16xi32>,
      %scan3A_183 = arith.constant 5 : i32
      %scan3A_184 = arith.addi %scan3A_145, %scan3A_183 : i32
      %mul3A_185 = arith.constant 16 : i32
      %mul3A_186 = arith.muli %scan3A_184, %mul3A_185 : i32
      %add3A_187 = arith.constant 0 : i32
      %add3A_188 = arith.addi %add3A_187, %mul3A_186 : i32
      %get3A_189 = arith.index_cast %add3A_188 : i32 to index
      %get3A_190 = tpu.vector_load %arg5[%get3A_189] {strides = array<i32>} : memref<15872xi32, #tpu.memory_space<vmem>>, vector<16xi32>,
      tpu.vector_store_idx %arg7[%get3A_190], %broadcast_in_dim3A_5 {add = true} : memref<41024xi32, #tpu.memory_space<vmem>>[vector<16xi32>], vector<16xi32>,
      %scan3A_191 = arith.constant 6 : i32
      %scan3A_192 = arith.addi %scan3A_145, %scan3A_191 : i32
      %mul3A_193 = arith.constant 16 : i32
      %mul3A_194 = arith.muli %scan3A_192, %mul3A_193 : i32
      %add3A_195 = arith.constant 0 : i32
      %add3A_196 = arith.addi %add3A_195, %mul3A_194 : i32
      %get3A_197 = arith.index_cast %add3A_196 : i32 to index
      %get3A_198 = tpu.vector_load %arg5[%get3A_197] {strides = array<i32>} : memref<15872xi32, #tpu.memory_space<vmem>>, vector<16xi32>,
      tpu.vector_store_idx %arg7[%get3A_198], %broadcast_in_dim3A_5 {add = true} : memref<41024xi32, #tpu.memory_space<vmem>>[vector<16xi32>], vector<16xi32>,
      %scan3A_199 = arith.constant 7 : i32
      %scan3A_200 = arith.addi %scan3A_145, %scan3A_199 : i32
      %mul3A_201 = arith.constant 16 : i32
      %mul3A_202 = arith.muli %scan3A_200, %mul3A_201 : i32
      %add3A_203 = arith.constant 0 : i32
      %add3A_204 = arith.addi %add3A_203, %mul3A_202 : i32
      %get3A_205 = arith.index_cast %add3A_204 : i32 to index
      %get3A_206 = tpu.vector_load %arg5[%get3A_205] {strides = array<i32>} : memref<15872xi32, #tpu.memory_space<vmem>>, vector<16xi32>,
      tpu.vector_store_idx %arg7[%get3A_206], %broadcast_in_dim3A_5 {add = true} : memref<41024xi32, #tpu.memory_space<vmem>>[vector<16xi32>], vector<16xi32>,
    }
    %scan3A_57 = arith.constant 992 : i32
    %eq3A = arith.constant 0 : i32
    %eq3A_58 = arith.cmpi eq, %add3A, %eq3A : i32
    %convert_element_type3A = arith.extui %eq3A_58 : i1 to i32
    %cond3A = arith.constant 0 : i32
    %cond3A_59 = arith.cmpi ne, %convert_element_type3A, %cond3A : i32
    scf.if %cond3A_59 {
      "tpu.region"() ({
        %run_scoped3A = tpu.sem_alloc : memref<!tpu.dma_semaphore, #tpu.memory_space<semaphore_mem>>
        %dma_start3A_151 = arith.constant 16368 : i32
        %dma_start3A_152 = tpu.memref_slice %arg2[%dma_start3A_151] : memref<524288xi32, #tpu.memory_space<hbm>> -> memref<16xi32, #tpu.memory_space<hbm>>
        %dma_start3A_153 = arith.constant 16368 : i32
        %dma_start3A_154 = tpu.memref_slice %arg2[%dma_start3A_153] : memref<524288xi32, #tpu.memory_space<hbm>> -> memref<16xi32, #tpu.memory_space<hbm>>
        tpu.enqueue_dma source(%dma_start3A_154 : memref<16xi32, #tpu.memory_space<hbm>>) target(%arg9 : memref<16xi32, #tpu.memory_space<vmem>>) target_semaphore(%run_scoped3A : memref<!tpu.dma_semaphore, #tpu.memory_space<semaphore_mem>>)
        %dma_wait3A_155 = arith.constant 16368 : i32
        %dma_wait3A_156 = tpu.memref_slice %arg2[%dma_wait3A_155] : memref<524288xi32, #tpu.memory_space<hbm>> -> memref<16xi32, #tpu.memory_space<hbm>>
        %dma_wait3A_157 = arith.constant 16368 : i32
        %dma_wait3A_158 = tpu.memref_slice %arg2[%dma_wait3A_157] : memref<524288xi32, #tpu.memory_space<hbm>> -> memref<16xi32, #tpu.memory_space<hbm>>
        tpu.wait_dma2 semaphore(%run_scoped3A : memref<!tpu.dma_semaphore, #tpu.memory_space<semaphore_mem>>) src(%dma_wait3A_158 : memref<16xi32, #tpu.memory_space<hbm>>) dst(%arg9 : memref<16xi32, #tpu.memory_space<vmem>>)
        tpu.yield
      }) : () -> ()
      %get3A = arith.constant 0 : index
      %get3A_145 = tpu.vector_load %arg9[%get3A] {strides = array<i32>} : memref<16xi32, #tpu.memory_space<vmem>>, vector<16xi32>,
      %iota3A = tpu.iota {dimensions = array<i32: 0>} : vector<16xi32>
      %add3A_146 = arith.constant 16368 : i32
      %add3A_147 = vector.broadcast %add3A_146 : i32 to vector<16xi32>
      %add3A_148 = arith.addi %add3A_147, %iota3A : vector<16xi32>
      %ge3A = arith.constant 16383 : i32
      %ge3A_149 = vector.broadcast %ge3A : i32 to vector<16xi32>
      %ge3A_150 = arith.cmpi sge, %add3A_148, %ge3A_149 : vector<16xi32>
      tpu.vector_store_idx %arg7[%get3A_145], %broadcast_in_dim3A_5 masked %ge3A_150 {add = true} : memref<41024xi32, #tpu.memory_space<vmem>>[vector<16xi32>], vector<16xi32>, vector<16xi1>
    } else {
    }
    %dma_start3A_60 = arith.constant 0 : i32
    %dma_start3A_61 = arith.constant 0 : i32
    %dma_start3A_62 = tpu.memref_slice %arg4[%dma_start3A_60, %add3A, %dma_start3A_61] : memref<2x32x41024xi32, #tpu.memory_space<hbm>> -> memref<1x1x41024xi32, #tpu.memory_space<hbm>>
    %dma_start3A_63 = tpu.memref_squeeze %dma_start3A_62 : memref<1x1x41024xi32, #tpu.memory_space<hbm>> -> memref<41024xi32, #tpu.memory_space<hbm>>
    %dma_start3A_64 = arith.constant 0 : i32
    %dma_start3A_65 = tpu.memref_slice %arg4[%dma_start3A_60, %add3A, %dma_start3A_64] : memref<2x32x41024xi32, #tpu.memory_space<hbm>> -> memref<1x1x41024xi32, #tpu.memory_space<hbm>>
    %dma_start3A_66 = tpu.memref_squeeze %dma_start3A_65 : memref<1x1x41024xi32, #tpu.memory_space<hbm>> -> memref<41024xi32, #tpu.memory_space<hbm>>
    tpu.enqueue_dma source(%arg7 : memref<41024xi32, #tpu.memory_space<vmem>>) target(%dma_start3A_66 : memref<41024xi32, #tpu.memory_space<hbm>>) target_semaphore(%arg12 : memref<!tpu.dma_semaphore, #tpu.memory_space<semaphore_mem>>)
    %scan3A_67 = arith.constant 0 : i32
    %scan3A_68 = arith.constant 2560 : i32
    %scan3A_69 = arith.addi %scan3A_67, %scan3A_68 : i32
    %scan3A_70 = arith.constant 8 : i32
    scf.for %scan3A_145 = %scan3A_67 to %scan3A_69 step %scan3A_70  : i32 {
      %mul3A_146 = arith.constant 16 : i32
      %mul3A_147 = arith.muli %scan3A_145, %mul3A_146 : i32
      %add3A_148 = arith.constant 0 : i32
      %add3A_149 = arith.addi %add3A_148, %mul3A_147 : i32
      %broadcast_in_dim3A_150 = arith.constant 0 : i32
      %broadcast_in_dim3A_151 = vector.broadcast %broadcast_in_dim3A_150 : i32 to vector<16xi32>
      %swap3A_152 = arith.index_cast %add3A_149 : i32 to index
      %swap3A_153 = tpu.vector_load %arg8[%swap3A_152] {strides = array<i32>} : memref<41024xi32, #tpu.memory_space<vmem>>, vector<16xi32>,
      tpu.vector_store %arg8[%swap3A_152], %broadcast_in_dim3A_151 {strides = array<i32>} : memref<41024xi32, #tpu.memory_space<vmem>>, vector<16xi32>,
      %scan3A_154 = arith.constant 1 : i32
      %scan3A_155 = arith.addi %scan3A_145, %scan3A_154 : i32
      %mul3A_156 = arith.constant 16 : i32
      %mul3A_157 = arith.muli %scan3A_155, %mul3A_156 : i32
      %add3A_158 = arith.constant 0 : i32
      %add3A_159 = arith.addi %add3A_158, %mul3A_157 : i32
      %broadcast_in_dim3A_160 = arith.constant 0 : i32
      %broadcast_in_dim3A_161 = vector.broadcast %broadcast_in_dim3A_160 : i32 to vector<16xi32>
      %swap3A_162 = arith.index_cast %add3A_159 : i32 to index
      %swap3A_163 = tpu.vector_load %arg8[%swap3A_162] {strides = array<i32>} : memref<41024xi32, #tpu.memory_space<vmem>>, vector<16xi32>,
      tpu.vector_store %arg8[%swap3A_162], %broadcast_in_dim3A_161 {strides = array<i32>} : memref<41024xi32, #tpu.memory_space<vmem>>, vector<16xi32>,
      %scan3A_164 = arith.constant 2 : i32
      %scan3A_165 = arith.addi %scan3A_145, %scan3A_164 : i32
      %mul3A_166 = arith.constant 16 : i32
      %mul3A_167 = arith.muli %scan3A_165, %mul3A_166 : i32
      %add3A_168 = arith.constant 0 : i32
      %add3A_169 = arith.addi %add3A_168, %mul3A_167 : i32
      %broadcast_in_dim3A_170 = arith.constant 0 : i32
      %broadcast_in_dim3A_171 = vector.broadcast %broadcast_in_dim3A_170 : i32 to vector<16xi32>
      %swap3A_172 = arith.index_cast %add3A_169 : i32 to index
      %swap3A_173 = tpu.vector_load %arg8[%swap3A_172] {strides = array<i32>} : memref<41024xi32, #tpu.memory_space<vmem>>, vector<16xi32>,
      tpu.vector_store %arg8[%swap3A_172], %broadcast_in_dim3A_171 {strides = array<i32>} : memref<41024xi32, #tpu.memory_space<vmem>>, vector<16xi32>,
      %scan3A_174 = arith.constant 3 : i32
      %scan3A_175 = arith.addi %scan3A_145, %scan3A_174 : i32
      %mul3A_176 = arith.constant 16 : i32
      %mul3A_177 = arith.muli %scan3A_175, %mul3A_176 : i32
      %add3A_178 = arith.constant 0 : i32
      %add3A_179 = arith.addi %add3A_178, %mul3A_177 : i32
      %broadcast_in_dim3A_180 = arith.constant 0 : i32
      %broadcast_in_dim3A_181 = vector.broadcast %broadcast_in_dim3A_180 : i32 to vector<16xi32>
      %swap3A_182 = arith.index_cast %add3A_179 : i32 to index
      %swap3A_183 = tpu.vector_load %arg8[%swap3A_182] {strides = array<i32>} : memref<41024xi32, #tpu.memory_space<vmem>>, vector<16xi32>,
      tpu.vector_store %arg8[%swap3A_182], %broadcast_in_dim3A_181 {strides = array<i32>} : memref<41024xi32, #tpu.memory_space<vmem>>, vector<16xi32>,
      %scan3A_184 = arith.constant 4 : i32
      %scan3A_185 = arith.addi %scan3A_145, %scan3A_184 : i32
      %mul3A_186 = arith.constant 16 : i32
      %mul3A_187 = arith.muli %scan3A_185, %mul3A_186 : i32
      %add3A_188 = arith.constant 0 : i32
      %add3A_189 = arith.addi %add3A_188, %mul3A_187 : i32
      %broadcast_in_dim3A_190 = arith.constant 0 : i32
      %broadcast_in_dim3A_191 = vector.broadcast %broadcast_in_dim3A_190 : i32 to vector<16xi32>
      %swap3A_192 = arith.index_cast %add3A_189 : i32 to index
      %swap3A_193 = tpu.vector_load %arg8[%swap3A_192] {strides = array<i32>} : memref<41024xi32, #tpu.memory_space<vmem>>, vector<16xi32>,
      tpu.vector_store %arg8[%swap3A_192], %broadcast_in_dim3A_191 {strides = array<i32>} : memref<41024xi32, #tpu.memory_space<vmem>>, vector<16xi32>,
      %scan3A_194 = arith.constant 5 : i32
      %scan3A_195 = arith.addi %scan3A_145, %scan3A_194 : i32
      %mul3A_196 = arith.constant 16 : i32
      %mul3A_197 = arith.muli %scan3A_195, %mul3A_196 : i32
      %add3A_198 = arith.constant 0 : i32
      %add3A_199 = arith.addi %add3A_198, %mul3A_197 : i32
      %broadcast_in_dim3A_200 = arith.constant 0 : i32
      %broadcast_in_dim3A_201 = vector.broadcast %broadcast_in_dim3A_200 : i32 to vector<16xi32>
      %swap3A_202 = arith.index_cast %add3A_199 : i32 to index
      %swap3A_203 = tpu.vector_load %arg8[%swap3A_202] {strides = array<i32>} : memref<41024xi32, #tpu.memory_space<vmem>>, vector<16xi32>,
      tpu.vector_store %arg8[%swap3A_202], %broadcast_in_dim3A_201 {strides = array<i32>} : memref<41024xi32, #tpu.memory_space<vmem>>, vector<16xi32>,
      %scan3A_204 = arith.constant 6 : i32
      %scan3A_205 = arith.addi %scan3A_145, %scan3A_204 : i32
      %mul3A_206 = arith.constant 16 : i32
      %mul3A_207 = arith.muli %scan3A_205, %mul3A_206 : i32
      %add3A_208 = arith.constant 0 : i32
      %add3A_209 = arith.addi %add3A_208, %mul3A_207 : i32
      %broadcast_in_dim3A_210 = arith.constant 0 : i32
      %broadcast_in_dim3A_211 = vector.broadcast %broadcast_in_dim3A_210 : i32 to vector<16xi32>
      %swap3A_212 = arith.index_cast %add3A_209 : i32 to index
      %swap3A_213 = tpu.vector_load %arg8[%swap3A_212] {strides = array<i32>} : memref<41024xi32, #tpu.memory_space<vmem>>, vector<16xi32>,
      tpu.vector_store %arg8[%swap3A_212], %broadcast_in_dim3A_211 {strides = array<i32>} : memref<41024xi32, #tpu.memory_space<vmem>>, vector<16xi32>,
      %scan3A_214 = arith.constant 7 : i32
      %scan3A_215 = arith.addi %scan3A_145, %scan3A_214 : i32
      %mul3A_216 = arith.constant 16 : i32
      %mul3A_217 = arith.muli %scan3A_215, %mul3A_216 : i32
      %add3A_218 = arith.constant 0 : i32
      %add3A_219 = arith.addi %add3A_218, %mul3A_217 : i32
      %broadcast_in_dim3A_220 = arith.constant 0 : i32
      %broadcast_in_dim3A_221 = vector.broadcast %broadcast_in_dim3A_220 : i32 to vector<16xi32>
      %swap3A_222 = arith.index_cast %add3A_219 : i32 to index
      %swap3A_223 = tpu.vector_load %arg8[%swap3A_222] {strides = array<i32>} : memref<41024xi32, #tpu.memory_space<vmem>>, vector<16xi32>,
      tpu.vector_store %arg8[%swap3A_222], %broadcast_in_dim3A_221 {strides = array<i32>} : memref<41024xi32, #tpu.memory_space<vmem>>, vector<16xi32>,
    }
    %scan3A_71 = arith.constant 2560 : i32
    %scan3A_72 = arith.addi %scan3A_67, %scan3A_71 : i32
    %mul3A_73 = arith.constant 16 : i32
    %mul3A_74 = arith.muli %scan3A_72, %mul3A_73 : i32
    %add3A_75 = arith.constant 0 : i32
    %add3A_76 = arith.addi %add3A_75, %mul3A_74 : i32
    %broadcast_in_dim3A_77 = arith.constant 0 : i32
    %broadcast_in_dim3A_78 = vector.broadcast %broadcast_in_dim3A_77 : i32 to vector<16xi32>
    %swap3A_79 = arith.index_cast %add3A_76 : i32 to index
    %swap3A_80 = tpu.vector_load %arg8[%swap3A_79] {strides = array<i32>} : memref<41024xi32, #tpu.memory_space<vmem>>, vector<16xi32>,
    tpu.vector_store %arg8[%swap3A_79], %broadcast_in_dim3A_78 {strides = array<i32>} : memref<41024xi32, #tpu.memory_space<vmem>>, vector<16xi32>,
    %scan3A_81 = arith.constant 2561 : i32
    %scan3A_82 = arith.addi %scan3A_67, %scan3A_81 : i32
    %mul3A_83 = arith.constant 16 : i32
    %mul3A_84 = arith.muli %scan3A_82, %mul3A_83 : i32
    %add3A_85 = arith.constant 0 : i32
    %add3A_86 = arith.addi %add3A_85, %mul3A_84 : i32
    %broadcast_in_dim3A_87 = arith.constant 0 : i32
    %broadcast_in_dim3A_88 = vector.broadcast %broadcast_in_dim3A_87 : i32 to vector<16xi32>
    %swap3A_89 = arith.index_cast %add3A_86 : i32 to index
    %swap3A_90 = tpu.vector_load %arg8[%swap3A_89] {strides = array<i32>} : memref<41024xi32, #tpu.memory_space<vmem>>, vector<16xi32>,
    tpu.vector_store %arg8[%swap3A_89], %broadcast_in_dim3A_88 {strides = array<i32>} : memref<41024xi32, #tpu.memory_space<vmem>>, vector<16xi32>,
    %scan3A_91 = arith.constant 2562 : i32
    %scan3A_92 = arith.addi %scan3A_67, %scan3A_91 : i32
    %mul3A_93 = arith.constant 16 : i32
    %mul3A_94 = arith.muli %scan3A_92, %mul3A_93 : i32
    %add3A_95 = arith.constant 0 : i32
    %add3A_96 = arith.addi %add3A_95, %mul3A_94 : i32
    %broadcast_in_dim3A_97 = arith.constant 0 : i32
    %broadcast_in_dim3A_98 = vector.broadcast %broadcast_in_dim3A_97 : i32 to vector<16xi32>
    %swap3A_99 = arith.index_cast %add3A_96 : i32 to index
    %swap3A_100 = tpu.vector_load %arg8[%swap3A_99] {strides = array<i32>} : memref<41024xi32, #tpu.memory_space<vmem>>, vector<16xi32>,
    tpu.vector_store %arg8[%swap3A_99], %broadcast_in_dim3A_98 {strides = array<i32>} : memref<41024xi32, #tpu.memory_space<vmem>>, vector<16xi32>,
    %scan3A_101 = arith.constant 2563 : i32
    %scan3A_102 = arith.addi %scan3A_67, %scan3A_101 : i32
    %mul3A_103 = arith.constant 16 : i32
    %mul3A_104 = arith.muli %scan3A_102, %mul3A_103 : i32
    %add3A_105 = arith.constant 0 : i32
    %add3A_106 = arith.addi %add3A_105, %mul3A_104 : i32
    %broadcast_in_dim3A_107 = arith.constant 0 : i32
    %broadcast_in_dim3A_108 = vector.broadcast %broadcast_in_dim3A_107 : i32 to vector<16xi32>
    %swap3A_109 = arith.index_cast %add3A_106 : i32 to index
    %swap3A_110 = tpu.vector_load %arg8[%swap3A_109] {strides = array<i32>} : memref<41024xi32, #tpu.memory_space<vmem>>, vector<16xi32>,
    tpu.vector_store %arg8[%swap3A_109], %broadcast_in_dim3A_108 {strides = array<i32>} : memref<41024xi32, #tpu.memory_space<vmem>>, vector<16xi32>,
    %scan3A_111 = arith.constant 2564 : i32
    %dma_wait3A_112 = tpu.memref_slice %arg3[%add3A_4] : memref<524288xi32, #tpu.memory_space<hbm>> -> memref<15872xi32, #tpu.memory_space<hbm>>
    %dma_wait3A_113 = tpu.memref_slice %arg3[%add3A_4] : memref<524288xi32, #tpu.memory_space<hbm>> -> memref<15872xi32, #tpu.memory_space<hbm>>
    tpu.wait_dma2 semaphore(%arg11 : memref<!tpu.dma_semaphore, #tpu.memory_space<semaphore_mem>>) src(%dma_wait3A_113 : memref<15872xi32, #tpu.memory_space<hbm>>) dst(%arg6 : memref<15872xi32, #tpu.memory_space<vmem>>)
    %scan3A_114 = arith.constant 0 : i32
    %scan3A_115 = arith.constant 992 : i32
    %scan3A_116 = arith.addi %scan3A_114, %scan3A_115 : i32
    %scan3A_117 = arith.constant 8 : i32
    scf.for %scan3A_145 = %scan3A_114 to %scan3A_116 step %scan3A_117  : i32 {
      %mul3A_146 = arith.constant 16 : i32
      %mul3A_147 = arith.muli %scan3A_145, %mul3A_146 : i32
      %add3A_148 = arith.constant 0 : i32
      %add3A_149 = arith.addi %add3A_148, %mul3A_147 : i32
      %get3A = arith.index_cast %add3A_149 : i32 to index
      %get3A_150 = tpu.vector_load %arg6[%get3A] {strides = array<i32>} : memref<15872xi32, #tpu.memory_space<vmem>>, vector<16xi32>,
      tpu.vector_store_idx %arg8[%get3A_150], %broadcast_in_dim3A_5 {add = true} : memref<41024xi32, #tpu.memory_space<vmem>>[vector<16xi32>], vector<16xi32>,
      %scan3A_151 = arith.constant 1 : i32
      %scan3A_152 = arith.addi %scan3A_145, %scan3A_151 : i32
      %mul3A_153 = arith.constant 16 : i32
      %mul3A_154 = arith.muli %scan3A_152, %mul3A_153 : i32
      %add3A_155 = arith.constant 0 : i32
      %add3A_156 = arith.addi %add3A_155, %mul3A_154 : i32
      %get3A_157 = arith.index_cast %add3A_156 : i32 to index
      %get3A_158 = tpu.vector_load %arg6[%get3A_157] {strides = array<i32>} : memref<15872xi32, #tpu.memory_space<vmem>>, vector<16xi32>,
      tpu.vector_store_idx %arg8[%get3A_158], %broadcast_in_dim3A_5 {add = true} : memref<41024xi32, #tpu.memory_space<vmem>>[vector<16xi32>], vector<16xi32>,
      %scan3A_159 = arith.constant 2 : i32
      %scan3A_160 = arith.addi %scan3A_145, %scan3A_159 : i32
      %mul3A_161 = arith.constant 16 : i32
      %mul3A_162 = arith.muli %scan3A_160, %mul3A_161 : i32
      %add3A_163 = arith.constant 0 : i32
      %add3A_164 = arith.addi %add3A_163, %mul3A_162 : i32
      %get3A_165 = arith.index_cast %add3A_164 : i32 to index
      %get3A_166 = tpu.vector_load %arg6[%get3A_165] {strides = array<i32>} : memref<15872xi32, #tpu.memory_space<vmem>>, vector<16xi32>,
      tpu.vector_store_idx %arg8[%get3A_166], %broadcast_in_dim3A_5 {add = true} : memref<41024xi32, #tpu.memory_space<vmem>>[vector<16xi32>], vector<16xi32>,
      %scan3A_167 = arith.constant 3 : i32
      %scan3A_168 = arith.addi %scan3A_145, %scan3A_167 : i32
      %mul3A_169 = arith.constant 16 : i32
      %mul3A_170 = arith.muli %scan3A_168, %mul3A_169 : i32
      %add3A_171 = arith.constant 0 : i32
      %add3A_172 = arith.addi %add3A_171, %mul3A_170 : i32
      %get3A_173 = arith.index_cast %add3A_172 : i32 to index
      %get3A_174 = tpu.vector_load %arg6[%get3A_173] {strides = array<i32>} : memref<15872xi32, #tpu.memory_space<vmem>>, vector<16xi32>,
      tpu.vector_store_idx %arg8[%get3A_174], %broadcast_in_dim3A_5 {add = true} : memref<41024xi32, #tpu.memory_space<vmem>>[vector<16xi32>], vector<16xi32>,
      %scan3A_175 = arith.constant 4 : i32
      %scan3A_176 = arith.addi %scan3A_145, %scan3A_175 : i32
      %mul3A_177 = arith.constant 16 : i32
      %mul3A_178 = arith.muli %scan3A_176, %mul3A_177 : i32
      %add3A_179 = arith.constant 0 : i32
      %add3A_180 = arith.addi %add3A_179, %mul3A_178 : i32
      %get3A_181 = arith.index_cast %add3A_180 : i32 to index
      %get3A_182 = tpu.vector_load %arg6[%get3A_181] {strides = array<i32>} : memref<15872xi32, #tpu.memory_space<vmem>>, vector<16xi32>,
      tpu.vector_store_idx %arg8[%get3A_182], %broadcast_in_dim3A_5 {add = true} : memref<41024xi32, #tpu.memory_space<vmem>>[vector<16xi32>], vector<16xi32>,
      %scan3A_183 = arith.constant 5 : i32
      %scan3A_184 = arith.addi %scan3A_145, %scan3A_183 : i32
      %mul3A_185 = arith.constant 16 : i32
      %mul3A_186 = arith.muli %scan3A_184, %mul3A_185 : i32
      %add3A_187 = arith.constant 0 : i32
      %add3A_188 = arith.addi %add3A_187, %mul3A_186 : i32
      %get3A_189 = arith.index_cast %add3A_188 : i32 to index
      %get3A_190 = tpu.vector_load %arg6[%get3A_189] {strides = array<i32>} : memref<15872xi32, #tpu.memory_space<vmem>>, vector<16xi32>,
      tpu.vector_store_idx %arg8[%get3A_190], %broadcast_in_dim3A_5 {add = true} : memref<41024xi32, #tpu.memory_space<vmem>>[vector<16xi32>], vector<16xi32>,
      %scan3A_191 = arith.constant 6 : i32
      %scan3A_192 = arith.addi %scan3A_145, %scan3A_191 : i32
      %mul3A_193 = arith.constant 16 : i32
      %mul3A_194 = arith.muli %scan3A_192, %mul3A_193 : i32
      %add3A_195 = arith.constant 0 : i32
      %add3A_196 = arith.addi %add3A_195, %mul3A_194 : i32
      %get3A_197 = arith.index_cast %add3A_196 : i32 to index
      %get3A_198 = tpu.vector_load %arg6[%get3A_197] {strides = array<i32>} : memref<15872xi32, #tpu.memory_space<vmem>>, vector<16xi32>,
      tpu.vector_store_idx %arg8[%get3A_198], %broadcast_in_dim3A_5 {add = true} : memref<41024xi32, #tpu.memory_space<vmem>>[vector<16xi32>], vector<16xi32>,
      %scan3A_199 = arith.constant 7 : i32
      %scan3A_200 = arith.addi %scan3A_145, %scan3A_199 : i32
      %mul3A_201 = arith.constant 16 : i32
      %mul3A_202 = arith.muli %scan3A_200, %mul3A_201 : i32
      %add3A_203 = arith.constant 0 : i32
      %add3A_204 = arith.addi %add3A_203, %mul3A_202 : i32
      %get3A_205 = arith.index_cast %add3A_204 : i32 to index
      %get3A_206 = tpu.vector_load %arg6[%get3A_205] {strides = array<i32>} : memref<15872xi32, #tpu.memory_space<vmem>>, vector<16xi32>,
      tpu.vector_store_idx %arg8[%get3A_206], %broadcast_in_dim3A_5 {add = true} : memref<41024xi32, #tpu.memory_space<vmem>>[vector<16xi32>], vector<16xi32>,
    }
    %scan3A_118 = arith.constant 992 : i32
    %eq3A_119 = arith.constant 0 : i32
    %eq3A_120 = arith.cmpi eq, %add3A, %eq3A_119 : i32
    %convert_element_type3A_121 = arith.extui %eq3A_120 : i1 to i32
    %cond3A_122 = arith.constant 0 : i32
    %cond3A_123 = arith.cmpi ne, %convert_element_type3A_121, %cond3A_122 : i32
    scf.if %cond3A_123 {
      "tpu.region"() ({
        %run_scoped3A = tpu.sem_alloc : memref<!tpu.dma_semaphore, #tpu.memory_space<semaphore_mem>>
        %dma_start3A_151 = arith.constant 16368 : i32
        %dma_start3A_152 = tpu.memref_slice %arg3[%dma_start3A_151] : memref<524288xi32, #tpu.memory_space<hbm>> -> memref<16xi32, #tpu.memory_space<hbm>>
        %dma_start3A_153 = arith.constant 16368 : i32
        %dma_start3A_154 = tpu.memref_slice %arg3[%dma_start3A_153] : memref<524288xi32, #tpu.memory_space<hbm>> -> memref<16xi32, #tpu.memory_space<hbm>>
        tpu.enqueue_dma source(%dma_start3A_154 : memref<16xi32, #tpu.memory_space<hbm>>) target(%arg9 : memref<16xi32, #tpu.memory_space<vmem>>) target_semaphore(%run_scoped3A : memref<!tpu.dma_semaphore, #tpu.memory_space<semaphore_mem>>)
        %dma_wait3A_155 = arith.constant 16368 : i32
        %dma_wait3A_156 = tpu.memref_slice %arg3[%dma_wait3A_155] : memref<524288xi32, #tpu.memory_space<hbm>> -> memref<16xi32, #tpu.memory_space<hbm>>
        %dma_wait3A_157 = arith.constant 16368 : i32
        %dma_wait3A_158 = tpu.memref_slice %arg3[%dma_wait3A_157] : memref<524288xi32, #tpu.memory_space<hbm>> -> memref<16xi32, #tpu.memory_space<hbm>>
        tpu.wait_dma2 semaphore(%run_scoped3A : memref<!tpu.dma_semaphore, #tpu.memory_space<semaphore_mem>>) src(%dma_wait3A_158 : memref<16xi32, #tpu.memory_space<hbm>>) dst(%arg9 : memref<16xi32, #tpu.memory_space<vmem>>)
        tpu.yield
      }) : () -> ()
      %get3A = arith.constant 0 : index
      %get3A_145 = tpu.vector_load %arg9[%get3A] {strides = array<i32>} : memref<16xi32, #tpu.memory_space<vmem>>, vector<16xi32>,
      %iota3A = tpu.iota {dimensions = array<i32: 0>} : vector<16xi32>
      %add3A_146 = arith.constant 16368 : i32
      %add3A_147 = vector.broadcast %add3A_146 : i32 to vector<16xi32>
      %add3A_148 = arith.addi %add3A_147, %iota3A : vector<16xi32>
      %ge3A = arith.constant 16383 : i32
      %ge3A_149 = vector.broadcast %ge3A : i32 to vector<16xi32>
      %ge3A_150 = arith.cmpi sge, %add3A_148, %ge3A_149 : vector<16xi32>
      tpu.vector_store_idx %arg8[%get3A_145], %broadcast_in_dim3A_5 masked %ge3A_150 {add = true} : memref<41024xi32, #tpu.memory_space<vmem>>[vector<16xi32>], vector<16xi32>, vector<16xi1>
    } else {
    }
    %dma_start3A_124 = arith.constant 1 : i32
    %dma_start3A_125 = arith.constant 0 : i32
    %dma_start3A_126 = tpu.memref_slice %arg4[%dma_start3A_124, %add3A, %dma_start3A_125] : memref<2x32x41024xi32, #tpu.memory_space<hbm>> -> memref<1x1x41024xi32, #tpu.memory_space<hbm>>
    %dma_start3A_127 = tpu.memref_squeeze %dma_start3A_126 : memref<1x1x41024xi32, #tpu.memory_space<hbm>> -> memref<41024xi32, #tpu.memory_space<hbm>>
    %dma_start3A_128 = arith.constant 0 : i32
    %dma_start3A_129 = tpu.memref_slice %arg4[%dma_start3A_124, %add3A, %dma_start3A_128] : memref<2x32x41024xi32, #tpu.memory_space<hbm>> -> memref<1x1x41024xi32, #tpu.memory_space<hbm>>
    %dma_start3A_130 = tpu.memref_squeeze %dma_start3A_129 : memref<1x1x41024xi32, #tpu.memory_space<hbm>> -> memref<41024xi32, #tpu.memory_space<hbm>>
    tpu.enqueue_dma source(%arg8 : memref<41024xi32, #tpu.memory_space<vmem>>) target(%dma_start3A_130 : memref<41024xi32, #tpu.memory_space<hbm>>) target_semaphore(%arg12 : memref<!tpu.dma_semaphore, #tpu.memory_space<semaphore_mem>>)
    %dma_wait3A_131 = arith.constant 0 : i32
    %dma_wait3A_132 = arith.constant 0 : i32
    %dma_wait3A_133 = tpu.memref_slice %arg4[%dma_wait3A_131, %add3A, %dma_wait3A_132] : memref<2x32x41024xi32, #tpu.memory_space<hbm>> -> memref<1x1x41024xi32, #tpu.memory_space<hbm>>
    %dma_wait3A_134 = tpu.memref_squeeze %dma_wait3A_133 : memref<1x1x41024xi32, #tpu.memory_space<hbm>> -> memref<41024xi32, #tpu.memory_space<hbm>>
    %dma_wait3A_135 = arith.constant 0 : i32
    %dma_wait3A_136 = tpu.memref_slice %arg4[%dma_wait3A_131, %add3A, %dma_wait3A_135] : memref<2x32x41024xi32, #tpu.memory_space<hbm>> -> memref<1x1x41024xi32, #tpu.memory_space<hbm>>
    %dma_wait3A_137 = tpu.memref_squeeze %dma_wait3A_136 : memref<1x1x41024xi32, #tpu.memory_space<hbm>> -> memref<41024xi32, #tpu.memory_space<hbm>>
    tpu.wait_dma2 semaphore(%arg12 : memref<!tpu.dma_semaphore, #tpu.memory_space<semaphore_mem>>) src(%arg7 : memref<41024xi32, #tpu.memory_space<vmem>>) dst(%dma_wait3A_137 : memref<41024xi32, #tpu.memory_space<hbm>>)
    %dma_wait3A_138 = arith.constant 1 : i32
    %dma_wait3A_139 = arith.constant 0 : i32
    %dma_wait3A_140 = tpu.memref_slice %arg4[%dma_wait3A_138, %add3A, %dma_wait3A_139] : memref<2x32x41024xi32, #tpu.memory_space<hbm>> -> memref<1x1x41024xi32, #tpu.memory_space<hbm>>
    %dma_wait3A_141 = tpu.memref_squeeze %dma_wait3A_140 : memref<1x1x41024xi32, #tpu.memory_space<hbm>> -> memref<41024xi32, #tpu.memory_space<hbm>>
    %dma_wait3A_142 = arith.constant 0 : i32
    %dma_wait3A_143 = tpu.memref_slice %arg4[%dma_wait3A_138, %add3A, %dma_wait3A_142] : memref<2x32x41024xi32, #tpu.memory_space<hbm>> -> memref<1x1x41024xi32, #tpu.memory_space<hbm>>
    %dma_wait3A_144 = tpu.memref_squeeze %dma_wait3A_143 : memref<1x1x41024xi32, #tpu.memory_space<hbm>> -> memref<41024xi32, #tpu.memory_space<hbm>>
    tpu.wait_dma2 semaphore(%arg12 : memref<!tpu.dma_semaphore, #tpu.memory_space<semaphore_mem>>) src(%arg8 : memref<41024xi32, #tpu.memory_space<vmem>>) dst(%dma_wait3A_144 : memref<41024xi32, #tpu.memory_space<hbm>>)
    return
  }
}

module attributes {stable_mosaic.version = 14 : i64} {
  func.func @_matvec_body(%arg0: i32, %arg1: memref<2x32x512xi32, #tpu.memory_space<vmem>>, %arg2: memref<512x256xf32, #tpu.memory_space<vmem>>, %arg3: memref<2x32x1x1x64xi32, #tpu.memory_space<vmem>>, %arg4: memref<64x256xf32, #tpu.memory_space<vmem>>, %arg5: memref<2x256xf32, #tpu.memory_space<vmem>>) attributes {dimension_semantics = [#tpu.dimension_semantics<arbitrary>], iteration_bounds = array<i64: 80>, scalar_prefetch = 0 : i64, scratch_operands = 0 : i64, tpu.core_type = #tpu.core_type<tc>, window_params = [{transform_indices = @transform_0, window_bounds = array<i64: 2, 32, 512>}, {transform_indices = @transform_1, window_bounds = array<i64: 512, 256>}, {transform_indices = @transform_2, window_bounds = array<i64: 2, 32, 1, 1, 64>}, {transform_indices = @transform_3, window_bounds = array<i64: 64, 256>}, {pipeline_mode = #tpu.pipeline_mode<synchronous>, transform_indices = @transform_4, window_bounds = array<i64: 2, 256>}]} {
    %get3A = arith.constant 0 : index
    %get3A_0 = arith.constant 0 : index
    %get3A_1 = arith.constant 0 : index
    %get3A_2 = vector.load %arg1[%get3A, %get3A_0, %get3A_1] : memref<2x32x512xi32, #tpu.memory_space<vmem>>, vector<2x32x512xi32>
    %reduce_sum3A = arith.constant dense<0> : vector<2x512xi32>
    %reduce_sum3A_3 = vector.multi_reduction <add>, %get3A_2, %reduce_sum3A [1] : vector<2x32x512xi32> to vector<2x512xi32>
    %convert_element_type3A = arith.sitofp %reduce_sum3A_3 : vector<2x512xi32> to vector<2x512xf32>
    %get3A_4 = arith.constant 0 : index
    %get3A_5 = arith.constant 0 : index
    %get3A_6 = vector.load %arg2[%get3A_4, %get3A_5] : memref<512x256xf32, #tpu.memory_space<vmem>>, vector<512x256xf32>
    %dot_general3A = arith.constant dense<0.000000e+00> : vector<2x256xf32>
    %dot_general3A_7 = tpu.matmul %convert_element_type3A, %get3A_6, %dot_general3A {dimension_numbers = #tpu.dot_dimension_numbers<[1], [0], [0], [1], [0, 0, 1, 1], [], []>, precision = #tpu.contract_precision<fp32>, transpose_lhs_hint = false} : vector<2x512xf32>, vector<512x256xf32>, vector<2x256xf32> -> vector<2x256xf32>
    %eq3A = arith.constant 0 : i32
    %eq3A_8 = arith.cmpi eq, %arg0, %eq3A : i32
    %convert_element_type3A_9 = arith.extui %eq3A_8 : i1 to i32
    %cond3A = arith.constant 0 : i32
    %cond3A_10 = arith.cmpi ne, %convert_element_type3A_9, %cond3A : i32
    scf.if %cond3A_10 {
      %get3A_16 = arith.constant 0 : index
      %get3A_17 = arith.constant 0 : index
      %get3A_18 = arith.constant 0 : index
      %get3A_19 = arith.constant 0 : index
      %get3A_20 = arith.constant 0 : index
      %get3A_21 = vector.load %arg3[%get3A_16, %get3A_17, %get3A_18, %get3A_19, %get3A_20] : memref<2x32x1x1x64xi32, #tpu.memory_space<vmem>>, vector<2x32x1x1x64xi32>
      %reshape3A = vector.shape_cast %get3A_21 : vector<2x32x1x1x64xi32> to vector<2x32x64xi32>
      %reduce_sum3A_22 = arith.constant dense<0> : vector<2x64xi32>
      %reduce_sum3A_23 = vector.multi_reduction <add>, %reshape3A, %reduce_sum3A_22 [1] : vector<2x32x64xi32> to vector<2x64xi32>
      %convert_element_type3A_24 = arith.sitofp %reduce_sum3A_23 : vector<2x64xi32> to vector<2x64xf32>
      %get3A_25 = arith.constant 0 : index
      %get3A_26 = arith.constant 0 : index
      %get3A_27 = vector.load %arg4[%get3A_25, %get3A_26] : memref<64x256xf32, #tpu.memory_space<vmem>>, vector<64x256xf32>
      %dot_general3A_28 = arith.constant dense<0.000000e+00> : vector<2x256xf32>
      %dot_general3A_29 = tpu.matmul %convert_element_type3A_24, %get3A_27, %dot_general3A_28 {dimension_numbers = #tpu.dot_dimension_numbers<[1], [0], [0], [1], [0, 0, 1, 1], [], []>, precision = #tpu.contract_precision<fp32>, transpose_lhs_hint = false} : vector<2x64xf32>, vector<64x256xf32>, vector<2x256xf32> -> vector<2x256xf32>
      %swap3A_30 = arith.constant 0 : index
      %swap3A_31 = arith.constant 0 : index
      %swap3A_32 = vector.load %arg5[%swap3A_30, %swap3A_31] : memref<2x256xf32, #tpu.memory_space<vmem>>, vector<2x256xf32>
      tpu.vector_store %arg5[%swap3A_30, %swap3A_31], %dot_general3A_29 {strides = array<i32>} : memref<2x256xf32, #tpu.memory_space<vmem>>, vector<2x256xf32>,
    } else {
    }
    %get3A_11 = arith.constant 0 : index
    %get3A_12 = arith.constant 0 : index
    %get3A_13 = vector.load %arg5[%get3A_11, %get3A_12] : memref<2x256xf32, #tpu.memory_space<vmem>>, vector<2x256xf32>
    %add3A = arith.addf %get3A_13, %dot_general3A_7 : vector<2x256xf32>
    %swap3A = arith.constant 0 : index
    %swap3A_14 = arith.constant 0 : index
    %swap3A_15 = vector.load %arg5[%swap3A, %swap3A_14] : memref<2x256xf32, #tpu.memory_space<vmem>>, vector<2x256xf32>
    tpu.vector_store %arg5[%swap3A, %swap3A_14], %add3A {strides = array<i32>} : memref<2x256xf32, #tpu.memory_space<vmem>>, vector<2x256xf32>,
    return
  }
  func.func @transform_0(%arg0: i32) -> (i32, i32, i32) {
    %c0_i32 = arith.constant 0 : i32
    %c0_i32_0 = arith.constant 0 : i32
    %c0_i32_1 = arith.constant 0 : i32
    return %c0_i32, %c0_i32_0, %arg0 : i32, i32, i32
  }
  func.func @transform_1(%arg0: i32) -> (i32, i32) {
    %c0_i32 = arith.constant 0 : i32
    %c0_i32_0 = arith.constant 0 : i32
    return %arg0, %c0_i32 : i32, i32
  }
  func.func @transform_2(%arg0: i32) -> (i32, i32, i32, i32, i32) {
    %c0_i32 = arith.constant 0 : i32
    %c0_i32_0 = arith.constant 0 : i32
    %c640_i32 = arith.constant 640 : i32
    %c0_i32_1 = arith.constant 0 : i32
    %c0_i32_2 = arith.constant 0 : i32
    %c0_i32_3 = arith.constant 0 : i32
    return %c0_i32, %c0_i32_0, %c640_i32, %c0_i32_1, %c0_i32_2 : i32, i32, i32, i32, i32
  }
  func.func @transform_3(%arg0: i32) -> (i32, i32) {
    %c640_i32 = arith.constant 640 : i32
    %c0_i32 = arith.constant 0 : i32
    %c0_i32_0 = arith.constant 0 : i32
    return %c640_i32, %c0_i32 : i32, i32
  }
  func.func @transform_4(%arg0: i32) -> (i32, i32) {
    %c0_i32 = arith.constant 0 : i32
    %c0_i32_0 = arith.constant 0 : i32
    %c0_i32_1 = arith.constant 0 : i32
    return %c0_i32, %c0_i32_0 : i32, i32
  }
}

module attributes {stable_mosaic.version = 14 : i64} {
  func.func @_mlp_body(%arg0: i32, %arg1: memref<512x256xf32, #tpu.memory_space<vmem>>, %arg2: memref<512x256xf32, #tpu.memory_space<vmem>>, %arg3: memref<2x256xf32, #tpu.memory_space<vmem>>, %arg4: memref<1x256xf32, #tpu.memory_space<vmem>>, %arg5: memref<128x256xf32, #tpu.memory_space<vmem>>, %arg6: memref<128x256xf32, #tpu.memory_space<vmem>>, %arg7: memref<1x128xf32, #tpu.memory_space<vmem>>, %arg8: memref<128x128xf32, #tpu.memory_space<vmem>>, %arg9: memref<1x128xf32, #tpu.memory_space<vmem>>, %arg10: memref<1x128xf32, #tpu.memory_space<vmem>>, %arg11: memref<1x1xf32, #tpu.memory_space<vmem>>, %arg12: memref<512x1xf32, #tpu.memory_space<vmem>>) attributes {dimension_semantics = [#tpu.dimension_semantics<arbitrary>], iteration_bounds = array<i64: 32>, scalar_prefetch = 0 : i64, scratch_operands = 0 : i64, tpu.core_type = #tpu.core_type<tc>, window_params = [{transform_indices = @transform_0, window_bounds = array<i64: 512, 256>}, {transform_indices = @transform_1, window_bounds = array<i64: 512, 256>}, {pipeline_mode = #tpu.pipeline_mode<synchronous>, transform_indices = @transform_2, window_bounds = array<i64: 2, 256>}, {pipeline_mode = #tpu.pipeline_mode<synchronous>, transform_indices = @transform_3, window_bounds = array<i64: 1, 256>}, {transform_indices = @transform_4, window_bounds = array<i64: 128, 256>}, {transform_indices = @transform_5, window_bounds = array<i64: 128, 256>}, {pipeline_mode = #tpu.pipeline_mode<synchronous>, transform_indices = @transform_6, window_bounds = array<i64: 1, 128>}, {pipeline_mode = #tpu.pipeline_mode<synchronous>, transform_indices = @transform_7, window_bounds = array<i64: 128, 128>}, {pipeline_mode = #tpu.pipeline_mode<synchronous>, transform_indices = @transform_8, window_bounds = array<i64: 1, 128>}, {pipeline_mode = #tpu.pipeline_mode<synchronous>, transform_indices = @transform_9, window_bounds = array<i64: 1, 128>}, {pipeline_mode = #tpu.pipeline_mode<synchronous>, transform_indices = @transform_10, window_bounds = array<i64: 1, 1>}, {transform_indices = @transform_11, window_bounds = array<i64: 512, 1>}]} {
    %mul3A = arith.constant 512 : i32
    %mul3A_0 = arith.muli %arg0, %mul3A : i32
    %iota3A = tpu.iota {dimensions = array<i32: 0>} : vector<512x1xi32>
    %add3A = vector.broadcast %mul3A_0 : i32 to vector<512x1xi32>
    %add3A_1 = arith.addi %add3A, %iota3A : vector<512x1xi32>
    %eq3A = arith.constant 16383 : i32
    %eq3A_2 = vector.broadcast %eq3A : i32 to vector<512x1xi32>
    %eq3A_3 = arith.cmpi eq, %add3A_1, %eq3A_2 : vector<512x1xi32>
    %get3A = arith.constant 0 : index
    %get3A_4 = arith.constant 0 : index
    %get3A_5 = vector.load %arg4[%get3A, %get3A_4] : memref<1x256xf32, #tpu.memory_space<vmem>>, vector<1x256xf32>
    %get3A_6 = arith.constant 0 : index
    %get3A_7 = arith.constant 0 : index
    %get3A_8 = vector.load %arg1[%get3A_6, %get3A_7] : memref<512x256xf32, #tpu.memory_space<vmem>>, vector<512x256xf32>
    %add3A_9 = vector.broadcast %get3A_5 : vector<1x256xf32> to vector<512x256xf32>
    %add3A_10 = arith.addf %get3A_8, %add3A_9 : vector<512x256xf32>
    %jit3A = arith.constant 0.000000e+00 : f32
    %jit3A_11 = arith.constant 1.000000e+00 : f32
    %max3A = vector.broadcast %jit3A : f32 to vector<512x256xf32>
    %max3A_12 = arith.maximumf %max3A, %add3A_10 : vector<512x256xf32>
    %min3A = vector.broadcast %jit3A_11 : f32 to vector<512x256xf32>
    %min3A_13 = arith.minimumf %min3A, %max3A_12 : vector<512x256xf32>
    %get3A_14 = arith.constant 0 : index
    %get3A_15 = arith.constant 0 : index
    %get3A_16 = vector.load %arg2[%get3A_14, %get3A_15] : memref<512x256xf32, #tpu.memory_space<vmem>>, vector<512x256xf32>
    %add3A_17 = vector.broadcast %get3A_5 : vector<1x256xf32> to vector<512x256xf32>
    %add3A_18 = arith.addf %get3A_16, %add3A_17 : vector<512x256xf32>
    %jit3A_19 = arith.constant 0.000000e+00 : f32
    %jit3A_20 = arith.constant 1.000000e+00 : f32
    %max3A_21 = vector.broadcast %jit3A_19 : f32 to vector<512x256xf32>
    %max3A_22 = arith.maximumf %max3A_21, %add3A_18 : vector<512x256xf32>
    %min3A_23 = vector.broadcast %jit3A_20 : f32 to vector<512x256xf32>
    %min3A_24 = arith.minimumf %min3A_23, %max3A_22 : vector<512x256xf32>
    %get3A_25 = arith.constant 0 : index
    %get3A_26 = arith.constant 0 : index
    %get3A_27 = vector.load %arg3[%get3A_25, %get3A_26] : memref<2x256xf32, #tpu.memory_space<vmem>>, vector<1x256xf32>
    %add3A_28 = arith.addf %get3A_27, %get3A_5 : vector<1x256xf32>
    %jit3A_29 = arith.constant 0.000000e+00 : f32
    %jit3A_30 = arith.constant 1.000000e+00 : f32
    %max3A_31 = vector.broadcast %jit3A_29 : f32 to vector<1x256xf32>
    %max3A_32 = arith.maximumf %max3A_31, %add3A_28 : vector<1x256xf32>
    %min3A_33 = vector.broadcast %jit3A_30 : f32 to vector<1x256xf32>
    %min3A_34 = arith.minimumf %min3A_33, %max3A_32 : vector<1x256xf32>
    %get3A_35 = arith.constant 1 : index
    %get3A_36 = arith.constant 0 : index
    %get3A_37 = vector.load %arg3[%get3A_35, %get3A_36] : memref<2x256xf32, #tpu.memory_space<vmem>>, vector<1x256xf32>
    %add3A_38 = arith.addf %get3A_37, %get3A_5 : vector<1x256xf32>
    %jit3A_39 = arith.constant 0.000000e+00 : f32
    %jit3A_40 = arith.constant 1.000000e+00 : f32
    %max3A_41 = vector.broadcast %jit3A_39 : f32 to vector<1x256xf32>
    %max3A_42 = arith.maximumf %max3A_41, %add3A_38 : vector<1x256xf32>
    %min3A_43 = vector.broadcast %jit3A_40 : f32 to vector<1x256xf32>
    %min3A_44 = arith.minimumf %min3A_43, %max3A_42 : vector<1x256xf32>
    %broadcast_in_dim3A = vector.shape_cast %eq3A_3 : vector<512x1xi1> to vector<512x1xi1>
    %broadcast_in_dim3A_45 = vector.broadcast %broadcast_in_dim3A : vector<512x1xi1> to vector<512x256xi1>
    %broadcast_in_dim3A_46 = vector.shape_cast %min3A_34 : vector<1x256xf32> to vector<1x256xf32>
    %broadcast_in_dim3A_47 = vector.broadcast %broadcast_in_dim3A_46 : vector<1x256xf32> to vector<512x256xf32>
    %select_n3A = arith.select %broadcast_in_dim3A_45, %broadcast_in_dim3A_47, %min3A_13 : vector<512x256xi1>, vector<512x256xf32>
    %broadcast_in_dim3A_48 = vector.shape_cast %eq3A_3 : vector<512x1xi1> to vector<512x1xi1>
    %broadcast_in_dim3A_49 = vector.broadcast %broadcast_in_dim3A_48 : vector<512x1xi1> to vector<512x256xi1>
    %broadcast_in_dim3A_50 = vector.shape_cast %min3A_44 : vector<1x256xf32> to vector<1x256xf32>
    %broadcast_in_dim3A_51 = vector.broadcast %broadcast_in_dim3A_50 : vector<1x256xf32> to vector<512x256xf32>
    %select_n3A_52 = arith.select %broadcast_in_dim3A_49, %broadcast_in_dim3A_51, %min3A_24 : vector<512x256xi1>, vector<512x256xf32>
    %get3A_53 = arith.constant 0 : index
    %get3A_54 = arith.constant 0 : index
    %get3A_55 = vector.load %arg5[%get3A_53, %get3A_54] : memref<128x256xf32, #tpu.memory_space<vmem>>, vector<128x256xf32>
    %dot_general3A = arith.constant dense<0.000000e+00> : vector<512x128xf32>
    %dot_general3A_56 = tpu.matmul %select_n3A, %get3A_55, %dot_general3A {dimension_numbers = #tpu.dot_dimension_numbers<[1], [1], [0], [0], [0, 0, 1, 0], [], []>, transpose_lhs_hint = false} : vector<512x256xf32>, vector<128x256xf32>, vector<512x128xf32> -> vector<512x128xf32>
    %get3A_57 = arith.constant 0 : index
    %get3A_58 = arith.constant 0 : index
    %get3A_59 = vector.load %arg6[%get3A_57, %get3A_58] : memref<128x256xf32, #tpu.memory_space<vmem>>, vector<128x256xf32>
    %dot_general3A_60 = arith.constant dense<0.000000e+00> : vector<512x128xf32>
    %dot_general3A_61 = tpu.matmul %select_n3A_52, %get3A_59, %dot_general3A_60 {dimension_numbers = #tpu.dot_dimension_numbers<[1], [1], [0], [0], [0, 0, 1, 0], [], []>, transpose_lhs_hint = false} : vector<512x256xf32>, vector<128x256xf32>, vector<512x128xf32> -> vector<512x128xf32>
    %add3A_62 = arith.addf %dot_general3A_56, %dot_general3A_61 : vector<512x128xf32>
    %get3A_63 = arith.constant 0 : index
    %get3A_64 = arith.constant 0 : index
    %get3A_65 = vector.load %arg7[%get3A_63, %get3A_64] : memref<1x128xf32, #tpu.memory_space<vmem>>, vector<1x128xf32>
    %add3A_66 = vector.broadcast %get3A_65 : vector<1x128xf32> to vector<512x128xf32>
    %add3A_67 = arith.addf %add3A_62, %add3A_66 : vector<512x128xf32>
    %jit3A_68 = arith.constant 0.000000e+00 : f32
    %jit3A_69 = arith.constant 1.000000e+00 : f32
    %max3A_70 = vector.broadcast %jit3A_68 : f32 to vector<512x128xf32>
    %max3A_71 = arith.maximumf %max3A_70, %add3A_67 : vector<512x128xf32>
    %min3A_72 = vector.broadcast %jit3A_69 : f32 to vector<512x128xf32>
    %min3A_73 = arith.minimumf %min3A_72, %max3A_71 : vector<512x128xf32>
    %get3A_74 = arith.constant 0 : index
    %get3A_75 = arith.constant 0 : index
    %get3A_76 = vector.load %arg8[%get3A_74, %get3A_75] : memref<128x128xf32, #tpu.memory_space<vmem>>, vector<128x128xf32>
    %dot_general3A_77 = arith.constant dense<0.000000e+00> : vector<512x128xf32>
    %dot_general3A_78 = tpu.matmul %min3A_73, %get3A_76, %dot_general3A_77 {dimension_numbers = #tpu.dot_dimension_numbers<[1], [1], [0], [0], [0, 0, 1, 0], [], []>, transpose_lhs_hint = false} : vector<512x128xf32>, vector<128x128xf32>, vector<512x128xf32> -> vector<512x128xf32>
    %get3A_79 = arith.constant 0 : index
    %get3A_80 = arith.constant 0 : index
    %get3A_81 = vector.load %arg9[%get3A_79, %get3A_80] : memref<1x128xf32, #tpu.memory_space<vmem>>, vector<1x128xf32>
    %add3A_82 = vector.broadcast %get3A_81 : vector<1x128xf32> to vector<512x128xf32>
    %add3A_83 = arith.addf %dot_general3A_78, %add3A_82 : vector<512x128xf32>
    %jit3A_84 = arith.constant 0.000000e+00 : f32
    %jit3A_85 = arith.constant 1.000000e+00 : f32
    %max3A_86 = vector.broadcast %jit3A_84 : f32 to vector<512x128xf32>
    %max3A_87 = arith.maximumf %max3A_86, %add3A_83 : vector<512x128xf32>
    %min3A_88 = vector.broadcast %jit3A_85 : f32 to vector<512x128xf32>
    %min3A_89 = arith.minimumf %min3A_88, %max3A_87 : vector<512x128xf32>
    %get3A_90 = arith.constant 0 : index
    %get3A_91 = arith.constant 0 : index
    %get3A_92 = vector.load %arg10[%get3A_90, %get3A_91] : memref<1x128xf32, #tpu.memory_space<vmem>>, vector<1x128xf32>
    %mul3A_93 = vector.broadcast %get3A_92 : vector<1x128xf32> to vector<512x128xf32>
    %mul3A_94 = arith.mulf %min3A_89, %mul3A_93 : vector<512x128xf32>
    %reduce_sum3A = arith.constant dense<0.000000e+00> : vector<512xf32>
    %reduce_sum3A_95 = vector.multi_reduction <add>, %mul3A_94, %reduce_sum3A [1] : vector<512x128xf32> to vector<512xf32>
    %broadcast_in_dim3A_96 = vector.shape_cast %reduce_sum3A_95 : vector<512xf32> to vector<512x1xf32>
    %get3A_97 = arith.constant 0 : index
    %get3A_98 = arith.constant 0 : index
    %get3A_99 = vector.load %arg11[%get3A_97, %get3A_98] : memref<1x1xf32, #tpu.memory_space<vmem>>, vector<1x1xf32>
    %add3A_100 = vector.broadcast %get3A_99 : vector<1x1xf32> to vector<512x1xf32>
    %add3A_101 = arith.addf %broadcast_in_dim3A_96, %add3A_100 : vector<512x1xf32>
    %swap3A = arith.constant 0 : index
    %swap3A_102 = arith.constant 0 : index
    %swap3A_103 = vector.load %arg12[%swap3A, %swap3A_102] : memref<512x1xf32, #tpu.memory_space<vmem>>, vector<512x1xf32>
    tpu.vector_store %arg12[%swap3A, %swap3A_102], %add3A_101 {strides = array<i32>} : memref<512x1xf32, #tpu.memory_space<vmem>>, vector<512x1xf32>,
    return
  }
  func.func @transform_0(%arg0: i32) -> (i32, i32) {
    %c0_i32 = arith.constant 0 : i32
    %c0_i32_0 = arith.constant 0 : i32
    return %arg0, %c0_i32 : i32, i32
  }
  func.func @transform_1(%arg0: i32) -> (i32, i32) {
    %c0_i32 = arith.constant 0 : i32
    %c0_i32_0 = arith.constant 0 : i32
    return %arg0, %c0_i32 : i32, i32
  }
  func.func @transform_2(%arg0: i32) -> (i32, i32) {
    %c0_i32 = arith.constant 0 : i32
    %c0_i32_0 = arith.constant 0 : i32
    %c0_i32_1 = arith.constant 0 : i32
    return %c0_i32, %c0_i32_0 : i32, i32
  }
  func.func @transform_3(%arg0: i32) -> (i32, i32) {
    %c0_i32 = arith.constant 0 : i32
    %c0_i32_0 = arith.constant 0 : i32
    %c0_i32_1 = arith.constant 0 : i32
    return %c0_i32, %c0_i32_0 : i32, i32
  }
  func.func @transform_4(%arg0: i32) -> (i32, i32) {
    %c0_i32 = arith.constant 0 : i32
    %c0_i32_0 = arith.constant 0 : i32
    %c0_i32_1 = arith.constant 0 : i32
    return %c0_i32, %c0_i32_0 : i32, i32
  }
  func.func @transform_5(%arg0: i32) -> (i32, i32) {
    %c0_i32 = arith.constant 0 : i32
    %c1_i32 = arith.constant 1 : i32
    %c0_i32_0 = arith.constant 0 : i32
    return %c0_i32, %c1_i32 : i32, i32
  }
  func.func @transform_6(%arg0: i32) -> (i32, i32) {
    %c0_i32 = arith.constant 0 : i32
    %c0_i32_0 = arith.constant 0 : i32
    %c0_i32_1 = arith.constant 0 : i32
    return %c0_i32, %c0_i32_0 : i32, i32
  }
  func.func @transform_7(%arg0: i32) -> (i32, i32) {
    %c0_i32 = arith.constant 0 : i32
    %c0_i32_0 = arith.constant 0 : i32
    %c0_i32_1 = arith.constant 0 : i32
    return %c0_i32, %c0_i32_0 : i32, i32
  }
  func.func @transform_8(%arg0: i32) -> (i32, i32) {
    %c0_i32 = arith.constant 0 : i32
    %c0_i32_0 = arith.constant 0 : i32
    %c0_i32_1 = arith.constant 0 : i32
    return %c0_i32, %c0_i32_0 : i32, i32
  }
  func.func @transform_9(%arg0: i32) -> (i32, i32) {
    %c0_i32 = arith.constant 0 : i32
    %c0_i32_0 = arith.constant 0 : i32
    %c0_i32_1 = arith.constant 0 : i32
    return %c0_i32, %c0_i32_0 : i32, i32
  }
  func.func @transform_10(%arg0: i32) -> (i32, i32) {
    %c0_i32 = arith.constant 0 : i32
    %c0_i32_0 = arith.constant 0 : i32
    %c0_i32_1 = arith.constant 0 : i32
    return %c0_i32, %c0_i32_0 : i32, i32
  }
  func.func @transform_11(%arg0: i32) -> (i32, i32) {
    %c0_i32 = arith.constant 0 : i32
    %c0_i32_0 = arith.constant 0 : i32
    return %arg0, %c0_i32 : i32, i32
  }
}

</mosaic_0001>

<sc_bundles>
// kernel: kernel.6.cloned.1.call-start
scs
__scs_entry_jumppad:
0x0: {  	(pc) =	sbr.rel $0x88, $3  }
0x1: {  	(tag) =	ssettag $0x0;
	lr =	simm.s32 $0x1  }
0x2: {  	[smem:$0x3F97] =	sst lr;
	_ =	strace $0xD0000000  }
0x3: {  	_ = 	snop  }
0x4: {  	_ = 	snop  }
0x5: {  	_ = 	snop  }
0x6: {  	_ = 	snop  }
0x7: {  	_ = 	snop  }
__scs_overlays_trampoline_lowered:
0x8: {  	[smem:$0x3FA6] =	sst s0  }
0x9: {  	[smem:$0x3FA7] =	sst s1  }
0xa: {  	[smem:$0x3FA8] =	sst s2  }
0xb: {  	[smem:$0x3FA9] =	sst s3  }
0xc: {  	[smem:$0x3FAA] =	sst s4  }
0xd: {  	[smem:$0x3FAB] =	sst s5  }
0xe: {  	[smem:$0x3FAC] =	sst s6  }
0xf: {  	[smem:$0x3FAD] =	sst s7  }
0x10: {  	[smem:$0x3FAE] =	sst s8  }
0x11: {  	[smem:$0x3FAF] =	sst s9;
	s0 =	simm.s32 @!p0 $0x0  }
0x12: {  	s1 =	sld [smem:$0x3F95];
	s0 =	simm.s32 @p0 $0x1  }
0x13: {  	[smem:$0x3FB0] =	sst s0;
	s0 =	simm.s32 @!p1 $0x0  }
0x14: {  	s2 =	sld [smem:$0x3F94];
	s0 =	simm.s32 @p1 $0x1  }
0x15: {  	[smem:$0x3FB1] =	sst s0;
	s0 =	simm.s32 @!p2 $0x0  }
0x16: {  	s3 =	sld [smem:$0x3FDB];
	s0 =	simm.s32 @p2 $0x1  }
0x17: {  	s4 =	simm.s32 $0x1BF5;
	[smem:$0x3FB3] =	sst s0  }
0x18: {  	s0 =	sld [smem:$0x3F96];
	_ =	swait.ge [sflag:s4], $0x0  }
0x19: {  	s7 =	sld [smem:$0x3F97]  }
0x1a: {  	s8 =	sadd.s32 $0xFFFFE003, lr  }
0x1b: {  	s9 =	sadd.s32 $0xFFFFFEF7, lr;
	s5 =	simm.s32 $0xFFFFFFFF;
	p2 =	slt.u32 s8, $0xFFFFF086  }
0x1c: {  	p1 =	slt.u32 s9, $0xF7A;
	s5 =	simm.s32 @!p2 $0x0  }
0x1d: {  	s5 =	simm.s32 @p1 $0x1;
	p0 =	seq.s32 s7, s2  }
0x1e: {  	s7 =	smul.u32 @!p0 $0xF7A, s2;
	p2 =	seq.s32 @!p0 s5, $0x0  }
0x1f: {  	s9 =	smul.u32 $0xF7A, s1;
	s8 =	simm.s32 @!p0 $0x1BF5;
	p2 =	por !p2, p0  }
0x20: {  	[sflag:s8] =	ssyncset.s32 @!p0 $0xFFFFF086;
	s6 =	sadd.s32 @!p0 s3, s7;
	s7 =	simm.s32 @!p0 $0x108  }
0x21: {  	s3 =	sadd.s32 s3, s9;
	s6 =	sadd.s32 @!p0 $0x88, s6;
	s7 =	simm.s32 @p2 $0x1082  }
0x22: {  	[simem:s7], [sflag:s8] =	dma.local @!p0 [hbm:s6], $0xF7A  }
0x23: {  	s9 =	sor.u32 $0xD0000000, s2;
	s6 =	simm.s32 $0x108;
	_ =	swait.ge @!p0 [sflag:s8], $0x0  }
0x24: {  	s3 =	sadd.s32 $0x88, s3;
	s6 =	simm.s32 @!p1 $0x1082;
	[sflag:s4] =	ssyncset.s32 $0xFFFFF086  }
0x25: {  	[simem:s6], [sflag:s4] =	dma.local [hbm:s3], $0xF7A  }
0x26: {  	[smem:$0x3F97] =	sst s1;
	(tag) =	ssettag s2;
	_ =	strace s9  }
0x27: {  	s1 =	sld [smem:$0x3FA7]  }
0x28: {  	s2 =	sld [smem:$0x3FA8]  }
0x29: {  	s4 =	sld [smem:$0x3FAA]  }
0x2a: {  	p0 =	seq.s32 s5, $0x0;
	s5 =	sld [smem:$0x3FAB]  }
0x2b: {  	s6 =	sld [smem:$0x3FAC]  }
0x2c: {  	s7 =	sld [smem:$0x3FAD]  }
0x2d: {  	s3 =	simm.s32 $0x108;
	s8 =	sld [smem:$0x3FAE]  }
0x2e: {  	s3 =	simm.s32 @!p0 $0x1082;
	s9 =	sld [smem:$0x3FAF]  }
0x2f: {  	lr =	sadd.s32 s0, s3;
	s0 =	sld [smem:$0x3FA6]  }
0x30: {  	s3 =	sld [smem:$0x3FA9]  }
0x31: {  	[smem:$0x3FB2] =	sst s10  }
0x32: {  	s10 =	sld [smem:$0x3FB0];
	_ =	sdelay $0x3  }
0x33: {  	p0 =	seq.s32 s10, $0x1;
	s10 =	sld [smem:$0x3FB2];
	_ =	sdelay $0x3  }
0x34: {  	[smem:$0x3FB2] =	sst s10  }
0x35: {  	s10 =	sld [smem:$0x3FB1];
	_ =	sdelay $0x3  }
0x36: {  	p1 =	seq.s32 s10, $0x1;
	s10 =	sld [smem:$0x3FB2];
	_ =	sdelay $0x3  }
0x37: {  	[smem:$0x3FB2] =	sst s10  }
0x38: {  	s10 =	sld [smem:$0x3FB3]  }
0x39: {  	_ = 	snop;
	(pc) =	sbr.ind lr, $3  }
0x3a: {  	_ = 	snop  }
0x3b: {  	_ = 	snop  }
0x3c: {  	p2 =	seq.s32 s10, $0x1;
	s10 =	sld [smem:$0x3FB2]  }
0x3d: {  	_ =	shalt  }
0x3e: {  	_ =	shalt  }
0x3f: {  	_ =	shalt  }
0x40: {  	_ =	shalt  }
0x41: {  	_ =	shalt  }
0x42: {  	_ =	shalt  }
0x43: {  	_ =	shalt  }
0x44: {  	_ =	shalt  }
0x45: {  	_ =	shalt  }
0x46: {  	_ =	shalt  }
0x47: {  	_ =	shalt  }
0x48: {  	_ =	shalt  }
0x49: {  	_ =	shalt  }
0x4a: {  	_ =	shalt  }
0x4b: {  	_ =	shalt  }
0x4c: {  	_ =	shalt  }
0x4d: {  	_ =	shalt  }
0x4e: {  	_ =	shalt  }
0x4f: {  	_ =	shalt  }
0x50: {  	_ =	shalt  }
0x51: {  	_ =	shalt  }
0x52: {  	_ =	shalt  }
0x53: {  	_ =	shalt  }
0x54: {  	_ =	shalt  }
0x55: {  	_ =	shalt  }
0x56: {  	_ =	shalt  }
0x57: {  	_ =	shalt  }
0x58: {  	_ =	shalt  }
0x59: {  	_ =	shalt  }
0x5a: {  	_ =	shalt  }
0x5b: {  	_ =	shalt  }
0x5c: {  	_ =	shalt  }
0x5d: {  	_ =	shalt  }
0x5e: {  	_ =	shalt  }
0x5f: {  	_ =	shalt  }
0x60: {  	_ =	shalt  }
0x61: {  	_ =	shalt  }
0x62: {  	_ =	shalt  }
0x63: {  	_ =	shalt  }
0x64: {  	_ =	shalt  }
0x65: {  	_ =	shalt  }
0x66: {  	_ =	shalt  }
0x67: {  	_ =	shalt  }
0x68: {  	_ =	shalt  }
0x69: {  	_ =	shalt  }
0x6a: {  	_ =	shalt  }
0x6b: {  	_ =	shalt  }
0x6c: {  	_ =	shalt  }
0x6d: {  	_ =	shalt  }
0x6e: {  	_ =	shalt  }
0x6f: {  	_ =	shalt  }
0x70: {  	_ =	shalt  }
0x71: {  	_ =	shalt  }
0x72: {  	_ =	shalt  }
0x73: {  	_ =	shalt  }
0x74: {  	_ =	shalt  }
0x75: {  	_ =	shalt  }
0x76: {  	_ =	shalt  }
0x77: {  	_ =	shalt  }
0x78: {  	_ =	shalt  }
0x79: {  	_ =	shalt  }
0x7a: {  	_ =	shalt  }
0x7b: {  	_ =	shalt  }
0x7c: {  	_ =	shalt  }
0x7d: {  	_ =	shalt  }
0x7e: {  	_ =	shalt  }
0x7f: {  	_ =	shalt  }
0x80: {  	_ =	shalt  }
0x81: {  	_ =	shalt  }
0x82: {  	_ =	shalt  }
0x83: {  	_ =	shalt  }
0x84: {  	_ =	shalt  }
0x85: {  	_ =	shalt  }
0x86: {  	_ =	shalt  }
0x87: {  	_ =	shalt  }
.Lfunc_end0:
.L_simem_size_0:
called_computation_lowered:
.L_overlay_start_0:
0x88: {  	s2 =	sld [smem:$0x3FD9]  }
0x89: {  	s3 =	sld [smem:$0x3FFE];
	_ =	sdelay $0x1  }
0x8a: {  	s1 =	srdreg.scid  }
0x8b: {  	s0 =	sand.u32 $0x1, s1  }
0x8c: {  	s17 =	sshll.u32 s0, $0xA;
	s2 =	sadd.s32 s3, s2  }
0x8d: {  	s2 =	sadd.s32 s2, s17  }
0x8e: {  	[smem:$0x3FBE] =	sst s2  }
0x8f: {  	_ = 	snop  }
0x90: {  	s2 =	sld [smem:$0x3FC9]  }
0x91: {  	s18 =	sld [smem:$0x3FC8];
	(tm) =	ssettm $0x1  }
0x92: {  	s4 =	sld [smem:$0x3FFB];
	_ =	sdelay $0x3  }
0x93: {  	_ =	strace s4  }
0x94: {  	s4 =	sld [smem:$0x3FFC];
	_ =	sdelay $0x3  }
0x95: {  	_ =	strace s4  }
0x96: {  	s4 =	sld [smem:$0x3FFD];
	_ =	sdelay $0x3  }
0x97: {  	_ =	strace s4  }
0x98: {  	_ =	strace $0x8FFFFFFF  }
0x99: {  	s19 =	sld [smem:$0x3FDB];
	_ =	sdelay $0x1  }
0x9a: {  	s5 =	simm.s32 $_scs_section_size  }
0x9b: {  	s6 =	simm.s32 $_size__tile_overlayer_lowered;
	s7 =	simm.s32 $_tile_overlayer_lowered  }
0x9c: {  	s22 =	simm.s32 $0x1BFF;
	s21 =	sshll.u32 s7, $0x1;
	s4 =	sadd.s32 s5, s19  }
0x9d: {  	s8 =	simm.s32 $0x0;
	s20 =	sshll.u32 s6, $0x1;
	s6 =	sadd.s32 s21, s4  }
0x9e: {  	[timem:s8], [sflag:s22] =	dma.local [hbm:s6], s20  }
0x9f: {  	_ =	swait.ge [sflag:s22], s20  }
0xa0: {  	s5 =	ssub.s32 $0x0, s20;
	[sflag:s22] =	ssyncset.done $0x0  }
0xa1: {  	[sflag:s22] =	ssyncadd.s32 s5;
	_ =	sdelay $0x1  }
0xa2: {  	s23 =	simm.s32 $0x1B8B  }
0xa3: {  	_ =	swait.ge [sflag:s23], $0x1  }
0xa4: {  	[sflag:s23] =	ssyncset.done $0x0  }
0xa5: {  	s25 =	simm.s32 $0x1B8E;
	s24 =	sld [smem:$0x3FFE];
	[sflag:s23] =	ssyncadd.s32 $0xFFFFFFFF  }
0xa6: {  	s26 =	simm.s32 $execute0_lowered;
	[smem:$0x3FD2] =	sst s25  }
0xa7: {  	s6 =	sshll.u32 s26, $0x1;
	_ =	strace $0x80000046;
	[dreg:$0x1] =	wrdreg $0xFFFFFFFF  }
0xa8: {  	s28 =	simm.s32 $_size_execute0_lowered;
	s4 =	sadd.s32 s4, s6;
	[dreg:$0x0] =	wrdreg $0x0  }
0xa9: {  	s6 =	sshll.u32 s28, $0x1;
	[dreg:$0x2] =	wrdreg s4  }
0xaa: {  	[dreg:$0x3] =	wrdreg s6  }
0xab: {  	[dreg:$0x4] =	wrdreg $0xC0  }
0xac: {  	_ =	task [dreg:s8], $0x5FFFF  }
0xad: {  	[dreg:$0x1] =	wrdreg $0xFFFFFFFF  }
0xae: {  	[dreg:$0x0] =	wrdreg $0x60  }
0xaf: {  	[dreg:$0x2] =	wrdreg s2  }
0xb0: {  	[dreg:$0x3] =	wrdreg s18  }
0xb1: {  	[dreg:$0x4] =	wrdreg s24  }
0xb2: {  	[dreg:$0x5] =	wrdreg $0x9  }
0xb3: {  	_ =	task.clear_ibuf [dreg:s8], $0x6FFFF;
	_ =	strace $0x90000046  }
0xb4: {  	s29 =	simm.s32 $0x9;
	_ =	strace $0x80000048  }
0xb5: {  	_ =	swait.ge [sflag:s29], $0x1  }
0xb6: {  	[sflag:s29] =	ssyncadd.s32 $0xFFFFFFFF  }
0xb7: {  	_ =	strace $0x90000048  }
0xb8: {  	_ =	sfence  }
0xb9: {  	s30 =	sld [smem:$0x0];
	_ =	sdelay $0x2  }
0xba: {  	s31 =	sshll.u32 s1, $0xD;
	s1 =	sshrl.u32 s1, $0x2  }
0xbb: {  	s3 =	sand.u32 $0x4000, s31;
	s1 =	sadd.s32 s1, s30  }
0xbc: {  	s0 =	sor.u32 s3, s0;
	s1 =	sshll.u32 s1, $0x11  }
0xbd: {  	s0 =	sor.u32 s1, s0  }
0xbe: {  	s0 =	sadd.s32 $0x8F2B, s0  }
0xbf: {  	[sflag:s0] =	ssyncadd.remote.s32 $0x1  }
0xc0: {  	_ =	sfence.sel $0xFFFF  }
0xc1: {  	[dreg:$0x0] =	wrdreg $0xFFFFFFFF;
	(pc) =	sbr.abs _section_cstart, $3  }
0xc2: {  	[dreg:$0x1] =	wrdreg $0xFFFFFFFF  }
0xc3: {  	_ =	task.clear_ibuf [dreg:s8], $0x2FFFF;
	_ =	strace $0x9FFFFFFF  }
0xc4: {  	(tm) =	ssettm $0x7FFFFFFF  }
0xc5: {  	_ =	shalt  }
tec
execute0_lowered:
.L_overlay_start_1:
0x0: {  	(tag) =	ssettag $0x1  }
0x1: {  	s5 =	rddreg [dreg:$0x0]  }
0x2: {  	s7 =	rddreg [dreg:$0x1]  }
0x3: {  	s3 =	rddreg [dreg:$0x2]  }
0x4: {  	s0 =	rddreg [dreg:$0x3];
	s4 =	srdreg.scid  }
0x5: {  	s1 =	stileid.u32;
	s2 =	simm.s32 $0x0;
	s12 =	simm.s32 $0x7C00  }
0x6: {  	s14 =	simm.s32 $0x400;
	s15 =	simm.s32 $0x2;
	s16 =	simm.s32 $0x11C80  }
0x7: {  	s17 =	simm.s32 $0x3;
	s18 =	simm.s32 $0x0;
	s4 =	sand.u32 $0x1, s4  }
0x8: {  	s6 =	sshll.u32 s1, $0x1;
	[smem:$0x7FF] =	sst s2;
	s9 =	sshrl.u32 s1, $0x2  }
0x9: {  	s8 =	sadd.s32 $0x1A00, s3;
	s13 =	sor.u32 s4, s6;
	s9 =	smul.u32 $0x50400, s9  }
0xa: {  	_ =	strace $0x80000047;
	s4 =	ssub.s32 $0x2, s4;
	s6 =	smul.u32 $0x3E00, s13  }
0xb: {  	s26 =	sshrl.u32 s4, $0x1;
	s10 =	sshll.u32 s13, $0x7;
	p0 =	sne.s32 s13, $0x0  }
0xc: {  	s13 =	simm.s32 $0x80;
	s11 =	ssub.s32 s4, s26;
	s6 =	sshrl.u32 s6, $0x3  }
0xd: {  	s29 =	sand.u32 $0x380, s10;
	s10 =	simm.s32 $0x3E00;
	s28 =	sadd.s32 $0x800, s6  }
0xe: {  	s6 =	sor.u32 s9, s29;
	s3 =	sadd.s32 s5, s28;
	s4 =	sadd.s32 s7, s28  }
0xf: {  	s5 =	sadd.s32 $0x7FE, s5;
	s9 =	sshrl.u32 s6, $0x3;
	s30 =	sadd.s32 $0x141000, s6  }
0x10: {  	s7 =	sadd.s32 $0x7FE, s7;
	s6 =	sadd.s32 s8, s9;
	s31 =	sshrl.u32 s30, $0x3  }
0x11: {  	v0 =	vimm.s32 $0x0;
	v1 =	vimm.s32 $0x1;
	vm0 =	vcmask @!p0 $0x3F3C;
	s9 =	smax.u32 s11, $0x1;
	s11 =	simm.s32 $0x1;
	s8 =	sadd.s32 s8, s31  }
.LBB2_1:
0x12: {  	[tilespmem:s2], [sflag:$0x1] =	stream.linear.gather [hbm4b:s3+s2], $0x3E00, $0x38;
	[tilespmem:$0x1BD80] =	vst v63  }
0x13: {  	s19 =	simm.s32 $0x7C40  }
0x14: {  	[tilespmem:s10], [sflag:$0x2] =	stream.linear.gather [hbm4b:s4+s2], $0x3E00, $0x38;
	[tilespmem:$0x1BD80] =	vst v63  }
0x15: {  	[tilespmem:s19+$0xFFFFFFC0] =	vst v0  }
0x16: {  	[tilespmem:s19+$0x30] =	vst v0  }
0x17: {  	[tilespmem:s19+$0x20] =	vst v0  }
0x18: {  	[tilespmem:s19+$0x10] =	vst v0  }
0x19: {  	[tilespmem:s19+$0x0] =	vst v0  }
0x1a: {  	[tilespmem:s19+$0xFFFFFFF0] =	vst v0  }
0x1b: {  	s20 =	simm.s32 $0x0;
	[tilespmem:s19+$0xFFFFFFE0] =	vst v0  }
.LBB2_2:
0x1c: {  	s20 =	sadd.s32 $0x8, s20;
	[tilespmem:s19+$0xFFFFFFD0] =	vst v0;
	s19 =	sadd.s32 $0x80, s19  }
0x1d: {  	[tilespmem:s19+$0xFFFFFFC0] =	vst v0;
	p1 =	slt.u32 s20, $0x9F8  }
0x1e: {  	[tilespmem:s19+$0x30] =	vst v0  }
.Ltmp0:
0x1f: {  	[tilespmem:s19+$0x20] =	vst v0;
	(pc) =	sbr.rel @p1 .LBB2_2-.Ltmp0, $4  }
0x20: {  	[tilespmem:s19+$0x10] =	vst v0  }
0x21: {  	[tilespmem:s19+$0x0] =	vst v0  }
0x22: {  	[tilespmem:s19+$0xFFFFFFF0] =	vst v0  }
0x23: {  	[tilespmem:s19+$0xFFFFFFE0] =	vst v0  }
0x24: {  	[tilespmem:s19+$0xFFFFFFD0] =	vst v0  }
0x25: {  	[tilespmem:$0x11C00] =	vst v0  }
0x26: {  	[tilespmem:$0x11C10] =	vst v0  }
0x27: {  	[tilespmem:$0x11C20] =	vst v0  }
0x28: {  	[tilespmem:$0x11C30] =	vst v0  }
0x29: {  	_ =	swait.ge [sflag:s11], $0x3E00  }
0x2a: {  	[sflag:s11] =	ssyncset.done $0x0  }
0x2b: {  	s19 =	simm.s32 $0xFFFFFFF8;
	s20 =	simm.s32 $0x40;
	[sflag:s11] =	ssyncadd.s32 $0xFFFFC200  }
.LBB2_4:
0x2c: {  	v2 =	vld [tilespmem:s20+$0xFFFFFFC0];
	_ =	sdelay $0x7  }
0x2d: {  	[tilespmem:v2+s12+$0x0] =	vst.idx.add.s32.msk $0xffff, v1  }
0x2e: {  	v2 =	vld [tilespmem:s20+$0xFFFFFFD0];
	_ =	sdelay $0x7  }
0x2f: {  	[tilespmem:v2+s12+$0x0] =	vst.idx.add.s32.msk $0xffff, v1  }
0x30: {  	v2 =	vld [tilespmem:s20+$0xFFFFFFE0];
	_ =	sdelay $0x7  }
0x31: {  	[tilespmem:v2+s12+$0x0] =	vst.idx.add.s32.msk $0xffff, v1  }
0x32: {  	v2 =	vld [tilespmem:s20+$0xFFFFFFF0];
	_ =	sdelay $0x7  }
0x33: {  	[tilespmem:v2+s12+$0x0] =	vst.idx.add.s32.msk $0xffff, v1  }
0x34: {  	v2 =	vld [tilespmem:s20+$0x0];
	_ =	sdelay $0x7  }
0x35: {  	[tilespmem:v2+s12+$0x0] =	vst.idx.add.s32.msk $0xffff, v1  }
0x36: {  	v2 =	vld [tilespmem:s20+$0x10];
	_ =	sdelay $0x7  }
0x37: {  	[tilespmem:v2+s12+$0x0] =	vst.idx.add.s32.msk $0xffff, v1  }
0x38: {  	v2 =	vld [tilespmem:s20+$0x20];
	_ =	sdelay $0x7  }
0x39: {  	[tilespmem:v2+s12+$0x0] =	vst.idx.add.s32.msk $0xffff, v1  }
0x3a: {  	v2 =	vld [tilespmem:s20+$0x30];
	_ =	sdelay $0x1  }
0x3b: {  	s19 =	sadd.s32 $0x8, s19  }
0x3c: {  	p1 =	slt.u32 s19, $0x3D8  }
.Ltmp1:
0x3d: {  	_ = 	snop;
	(pc) =	sbr.rel @p1 .LBB2_4-.Ltmp1, $2  }
0x3e: {  	_ =	sdelay $0x2  }
0x3f: {  	s20 =	sadd.s32 $0x80, s20;
	[tilespmem:v2+s12+$0x0] =	vst.idx.add.s32.msk $0xffff, v1  }
0x40: {  	s19 =	simm.s32 @!p0 $0x0;
	s20 =	simm.s32 @!p0 $0x1BD00  }
0x41: {  	[tilespmem:s20], [sflag:$0x4] =	stream.linear.gather @!p0 [hbm4b:s5+s19], $0x10, $0x38;
	[tilespmem:$0x1BD80] =	vst v63  }
0x42: {  	s19 =	simm.s32 @!p0 $0x4  }
0x43: {  	_ =	swait.ge @!p0 [sflag:s19], $0x10  }
0x44: {  	[sflag:s19] =	ssyncset.done @!p0 $0x0  }
0x45: {  	[sflag:s19] =	ssyncadd.s32 @!p0 $0xFFFFFFF0  }
0x46: {  	v2 =	vld @!p0 [tilespmem:$0x1BD00];
	_ =	sdelay $0x6  }
0x47: {  	v3 =	vimm.s32 @!p0 $0x1;
	s19 =	simm.s32 @!p0 $0x7C00  }
0x48: {  	[tilespmem:v2+s19+$0x0] =	vst.idx.add.s32.msk @!p0 vm0, v3;
	s19 =	simm.s32 $0x11CC0  }
0x49: {  	[hbm4b:s6+s13] =	stream.strided.scatter [tilespmem:s12], [sflag:$0x3], $0xA080, s14, s13, $0x38;
	[tilespmem:$0x1BD80] =	vst v63  }
0x4a: {  	[tilespmem:s19+$0xFFFFFFC0] =	vst v0  }
0x4b: {  	[tilespmem:s19+$0x30] =	vst v0  }
0x4c: {  	[tilespmem:s19+$0x20] =	vst v0  }
0x4d: {  	[tilespmem:s19+$0x10] =	vst v0  }
0x4e: {  	[tilespmem:s19+$0x0] =	vst v0  }
0x4f: {  	[tilespmem:s19+$0xFFFFFFF0] =	vst v0  }
0x50: {  	s20 =	simm.s32 $0x0;
	[tilespmem:s19+$0xFFFFFFE0] =	vst v0  }
.LBB2_6:
0x51: {  	s20 =	sadd.s32 $0x8, s20;
	[tilespmem:s19+$0xFFFFFFD0] =	vst v0;
	s19 =	sadd.s32 $0x80, s19  }
0x52: {  	[tilespmem:s19+$0xFFFFFFC0] =	vst v0;
	p1 =	slt.u32 s20, $0x9F8  }
0x53: {  	[tilespmem:s19+$0x30] =	vst v0  }
.Ltmp2:
0x54: {  	[tilespmem:s19+$0x20] =	vst v0;
	(pc) =	sbr.rel @p1 .LBB2_6-.Ltmp2, $4  }
0x55: {  	[tilespmem:s19+$0x10] =	vst v0  }
0x56: {  	[tilespmem:s19+$0x0] =	vst v0  }
0x57: {  	[tilespmem:s19+$0xFFFFFFF0] =	vst v0  }
0x58: {  	[tilespmem:s19+$0xFFFFFFE0] =	vst v0  }
0x59: {  	[tilespmem:s19+$0xFFFFFFD0] =	vst v0  }
0x5a: {  	[tilespmem:$0x1BC80] =	vst v0  }
0x5b: {  	[tilespmem:$0x1BC90] =	vst v0  }
0x5c: {  	[tilespmem:$0x1BCA0] =	vst v0  }
0x5d: {  	[tilespmem:$0x1BCB0] =	vst v0  }
0x5e: {  	_ =	swait.ge [sflag:s15], $0x3E00  }
0x5f: {  	[sflag:s15] =	ssyncset.done $0x0  }
0x60: {  	s19 =	simm.s32 $0xFFFFFFF8;
	s20 =	simm.s32 $0x3E40;
	[sflag:s15] =	ssyncadd.s32 $0xFFFFC200  }
.LBB2_8:
0x61: {  	v2 =	vld [tilespmem:s20+$0xFFFFFFC0];
	_ =	sdelay $0x7  }
0x62: {  	[tilespmem:v2+s16+$0x0] =	vst.idx.add.s32.msk $0xffff, v1  }
0x63: {  	v2 =	vld [tilespmem:s20+$0xFFFFFFD0];
	_ =	sdelay $0x7  }
0x64: {  	[tilespmem:v2+s16+$0x0] =	vst.idx.add.s32.msk $0xffff, v1  }
0x65: {  	v2 =	vld [tilespmem:s20+$0xFFFFFFE0];
	_ =	sdelay $0x7  }
0x66: {  	[tilespmem:v2+s16+$0x0] =	vst.idx.add.s32.msk $0xffff, v1  }
0x67: {  	v2 =	vld [tilespmem:s20+$0xFFFFFFF0];
	_ =	sdelay $0x7  }
0x68: {  	[tilespmem:v2+s16+$0x0] =	vst.idx.add.s32.msk $0xffff, v1  }
0x69: {  	v2 =	vld [tilespmem:s20+$0x0];
	_ =	sdelay $0x7  }
0x6a: {  	[tilespmem:v2+s16+$0x0] =	vst.idx.add.s32.msk $0xffff, v1  }
0x6b: {  	v2 =	vld [tilespmem:s20+$0x10];
	_ =	sdelay $0x7  }
0x6c: {  	[tilespmem:v2+s16+$0x0] =	vst.idx.add.s32.msk $0xffff, v1  }
0x6d: {  	v2 =	vld [tilespmem:s20+$0x20];
	_ =	sdelay $0x7  }
0x6e: {  	[tilespmem:v2+s16+$0x0] =	vst.idx.add.s32.msk $0xffff, v1  }
0x6f: {  	v2 =	vld [tilespmem:s20+$0x30];
	_ =	sdelay $0x1  }
0x70: {  	s19 =	sadd.s32 $0x8, s19  }
0x71: {  	p1 =	slt.u32 s19, $0x3D8  }
.Ltmp3:
0x72: {  	_ = 	snop;
	(pc) =	sbr.rel @p1 .LBB2_8-.Ltmp3, $2  }
0x73: {  	_ =	sdelay $0x2  }
0x74: {  	s20 =	sadd.s32 $0x80, s20;
	[tilespmem:v2+s16+$0x0] =	vst.idx.add.s32.msk $0xffff, v1  }
0x75: {  	s19 =	simm.s32 @!p0 $0x0;
	s20 =	simm.s32 @!p0 $0x1BD00  }
0x76: {  	[tilespmem:s20], [sflag:$0x4] =	stream.linear.gather @!p0 [hbm4b:s7+s19], $0x10, $0x38;
	[tilespmem:$0x1BD80] =	vst v63  }
0x77: {  	s19 =	simm.s32 @!p0 $0x4  }
0x78: {  	_ =	swait.ge @!p0 [sflag:s19], $0x10  }
0x79: {  	[sflag:s19] =	ssyncset.done @!p0 $0x0  }
0x7a: {  	[sflag:s19] =	ssyncadd.s32 @!p0 $0xFFFFFFF0  }
0x7b: {  	v2 =	vld @!p0 [tilespmem:$0x1BD00];
	_ =	sdelay $0x6  }
0x7c: {  	v3 =	vimm.s32 @!p0 $0x1;
	s19 =	simm.s32 @!p0 $0x11C80  }
0x7d: {  	s18 =	sadd.s32 $0x1, s18;
	[tilespmem:v2+s19+$0x0] =	vst.idx.add.s32.msk @!p0 vm0, v3  }
0x7e: {  	[hbm4b:s8+s13] =	stream.strided.scatter [tilespmem:s16], [sflag:$0x3], $0xA080, s14, s13, $0x38;
	[tilespmem:$0x1BD80] =	vst v63  }
0x7f: {  	p1 =	sne.s32 s18, s9;
	_ =	swait.ge [sflag:s17], $0xA080  }
.Ltmp4:
0x80: {  	[sflag:s17] =	ssyncset.done $0x0;
	(pc) =	sbr.rel @p1 .LBB2_1-.Ltmp4, $4  }
0x81: {  	[sflag:s17] =	ssyncadd.s32 $0xFFFF5F80  }
0x82: {  	_ =	swait.ge [sflag:s17], $0xA080  }
0x83: {  	[sflag:s17] =	ssyncset.done $0x0  }
0x84: {  	[sflag:s17] =	ssyncadd.s32 $0xFFFF5F80  }
0x85: {  	_ =	sfence.sel $0x180000  }
0x86: {  	[bflag:$0x0] =	sbarrier.arrive $0xFFFF  }
0x87: {  	p0 =	sne.s32 s1, $0x0;
	_ =	strace $0x90000047  }
0x88: {  	s0 =	sadd.s32 @!p0 $0x100000, s0;
	[bflag:$0x2] =	sbarrier.arrive $0xFFFF  }
0x89: {  	[sflag:s0] =	ssyncadd.tile.s32 @!p0 $0x1;
	_ =	shalt  }
.Lfunc_end2:
_tile_overlayer_lowered:
.L_overlay_start_2:
0x8a: {  	(tag) =	ssettag $0x2  }
0x8b: {  	s0 =	rddreg [dreg:$0x0];
	s2 =	stileid.u32  }
0x8c: {  	s1 =	rddreg [dreg:$0x1];
	p0 =	sne.s32 s2, $0x0  }
0x8d: {  	s3 =	rddreg [dreg:$0x2];
	[bflag:$0x3] =	sbarrier.arrive $0xFFFF;
	s2 =	simm.s32 @!p0 $0x1C04  }
0x8e: {  	[timem:s3], [sflag:s2] =	dma.local @!p0 [hbm:s0], s1  }
0x8f: {  	s0 =	simm.s32 @!p0 $0x4  }
0x90: {  	_ =	swait.ge @!p0 [sflag:s0], s1  }
0x91: {  	s1 =	ssub.s32 @!p0 $0x0, s1;
	[sflag:s0] =	ssyncset.done @!p0 $0x0  }
0x92: {  	[sflag:s0] =	ssyncadd.s32 @!p0 s1  }
0x93: {  	[bflag:$0x3] =	sbarrier.arrive $0xFFFF  }
0x94: {  	_ =	shalt  }

// kernel: kernel.9.cloned.1.call-start
scs
__scs_entry_jumppad:
0x0: {  	(pc) =	sbr.rel $0x88, $3  }
0x1: {  	(tag) =	ssettag $0x0;
	lr =	simm.s32 $0x1  }
0x2: {  	[smem:$0x3F97] =	sst lr;
	_ =	strace $0xD0000000  }
0x3: {  	_ = 	snop  }
0x4: {  	_ = 	snop  }
0x5: {  	_ = 	snop  }
0x6: {  	_ = 	snop  }
0x7: {  	_ = 	snop  }
__scs_overlays_trampoline_lowered:
0x8: {  	[smem:$0x3FA6] =	sst s0  }
0x9: {  	[smem:$0x3FA7] =	sst s1  }
0xa: {  	[smem:$0x3FA8] =	sst s2  }
0xb: {  	[smem:$0x3FA9] =	sst s3  }
0xc: {  	[smem:$0x3FAA] =	sst s4  }
0xd: {  	[smem:$0x3FAB] =	sst s5  }
0xe: {  	[smem:$0x3FAC] =	sst s6  }
0xf: {  	[smem:$0x3FAD] =	sst s7  }
0x10: {  	[smem:$0x3FAE] =	sst s8  }
0x11: {  	[smem:$0x3FAF] =	sst s9;
	s0 =	simm.s32 @!p0 $0x0  }
0x12: {  	s1 =	sld [smem:$0x3F95];
	s0 =	simm.s32 @p0 $0x1  }
0x13: {  	[smem:$0x3FB0] =	sst s0;
	s0 =	simm.s32 @!p1 $0x0  }
0x14: {  	s2 =	sld [smem:$0x3F94];
	s0 =	simm.s32 @p1 $0x1  }
0x15: {  	[smem:$0x3FB1] =	sst s0;
	s0 =	simm.s32 @!p2 $0x0  }
0x16: {  	s3 =	sld [smem:$0x3FDB];
	s0 =	simm.s32 @p2 $0x1  }
0x17: {  	s4 =	simm.s32 $0x1BF5;
	[smem:$0x3FB3] =	sst s0  }
0x18: {  	s0 =	sld [smem:$0x3F96];
	_ =	swait.ge [sflag:s4], $0x0  }
0x19: {  	s7 =	sld [smem:$0x3F97]  }
0x1a: {  	s8 =	sadd.s32 $0xFFFFE003, lr  }
0x1b: {  	s9 =	sadd.s32 $0xFFFFFEF7, lr;
	s5 =	simm.s32 $0xFFFFFFFF;
	p2 =	slt.u32 s8, $0xFFFFF086  }
0x1c: {  	p1 =	slt.u32 s9, $0xF7A;
	s5 =	simm.s32 @!p2 $0x0  }
0x1d: {  	s5 =	simm.s32 @p1 $0x1;
	p0 =	seq.s32 s7, s2  }
0x1e: {  	s7 =	smul.u32 @!p0 $0xF7A, s2;
	p2 =	seq.s32 @!p0 s5, $0x0  }
0x1f: {  	s9 =	smul.u32 $0xF7A, s1;
	s8 =	simm.s32 @!p0 $0x1BF5;
	p2 =	por !p2, p0  }
0x20: {  	[sflag:s8] =	ssyncset.s32 @!p0 $0xFFFFF086;
	s6 =	sadd.s32 @!p0 s3, s7;
	s7 =	simm.s32 @!p0 $0x108  }
0x21: {  	s3 =	sadd.s32 s3, s9;
	s6 =	sadd.s32 @!p0 $0x88, s6;
	s7 =	simm.s32 @p2 $0x1082  }
0x22: {  	[simem:s7], [sflag:s8] =	dma.local @!p0 [hbm:s6], $0xF7A  }
0x23: {  	s9 =	sor.u32 $0xD0000000, s2;
	s6 =	simm.s32 $0x108;
	_ =	swait.ge @!p0 [sflag:s8], $0x0  }
0x24: {  	s3 =	sadd.s32 $0x88, s3;
	s6 =	simm.s32 @!p1 $0x1082;
	[sflag:s4] =	ssyncset.s32 $0xFFFFF086  }
0x25: {  	[simem:s6], [sflag:s4] =	dma.local [hbm:s3], $0xF7A  }
0x26: {  	[smem:$0x3F97] =	sst s1;
	(tag) =	ssettag s2;
	_ =	strace s9  }
0x27: {  	s1 =	sld [smem:$0x3FA7]  }
0x28: {  	s2 =	sld [smem:$0x3FA8]  }
0x29: {  	s4 =	sld [smem:$0x3FAA]  }
0x2a: {  	p0 =	seq.s32 s5, $0x0;
	s5 =	sld [smem:$0x3FAB]  }
0x2b: {  	s6 =	sld [smem:$0x3FAC]  }
0x2c: {  	s7 =	sld [smem:$0x3FAD]  }
0x2d: {  	s3 =	simm.s32 $0x108;
	s8 =	sld [smem:$0x3FAE]  }
0x2e: {  	s3 =	simm.s32 @!p0 $0x1082;
	s9 =	sld [smem:$0x3FAF]  }
0x2f: {  	lr =	sadd.s32 s0, s3;
	s0 =	sld [smem:$0x3FA6]  }
0x30: {  	s3 =	sld [smem:$0x3FA9]  }
0x31: {  	[smem:$0x3FB2] =	sst s10  }
0x32: {  	s10 =	sld [smem:$0x3FB0];
	_ =	sdelay $0x3  }
0x33: {  	p0 =	seq.s32 s10, $0x1;
	s10 =	sld [smem:$0x3FB2];
	_ =	sdelay $0x3  }
0x34: {  	[smem:$0x3FB2] =	sst s10  }
0x35: {  	s10 =	sld [smem:$0x3FB1];
	_ =	sdelay $0x3  }
0x36: {  	p1 =	seq.s32 s10, $0x1;
	s10 =	sld [smem:$0x3FB2];
	_ =	sdelay $0x3  }
0x37: {  	[smem:$0x3FB2] =	sst s10  }
0x38: {  	s10 =	sld [smem:$0x3FB3]  }
0x39: {  	_ = 	snop;
	(pc) =	sbr.ind lr, $3  }
0x3a: {  	_ = 	snop  }
0x3b: {  	_ = 	snop  }
0x3c: {  	p2 =	seq.s32 s10, $0x1;
	s10 =	sld [smem:$0x3FB2]  }
0x3d: {  	_ =	shalt  }
0x3e: {  	_ =	shalt  }
0x3f: {  	_ =	shalt  }
0x40: {  	_ =	shalt  }
0x41: {  	_ =	shalt  }
0x42: {  	_ =	shalt  }
0x43: {  	_ =	shalt  }
0x44: {  	_ =	shalt  }
0x45: {  	_ =	shalt  }
0x46: {  	_ =	shalt  }
0x47: {  	_ =	shalt  }
0x48: {  	_ =	shalt  }
0x49: {  	_ =	shalt  }
0x4a: {  	_ =	shalt  }
0x4b: {  	_ =	shalt  }
0x4c: {  	_ =	shalt  }
0x4d: {  	_ =	shalt  }
0x4e: {  	_ =	shalt  }
0x4f: {  	_ =	shalt  }
0x50: {  	_ =	shalt  }
0x51: {  	_ =	shalt  }
0x52: {  	_ =	shalt  }
0x53: {  	_ =	shalt  }
0x54: {  	_ =	shalt  }
0x55: {  	_ =	shalt  }
0x56: {  	_ =	shalt  }
0x57: {  	_ =	shalt  }
0x58: {  	_ =	shalt  }
0x59: {  	_ =	shalt  }
0x5a: {  	_ =	shalt  }
0x5b: {  	_ =	shalt  }
0x5c: {  	_ =	shalt  }
0x5d: {  	_ =	shalt  }
0x5e: {  	_ =	shalt  }
0x5f: {  	_ =	shalt  }
0x60: {  	_ =	shalt  }
0x61: {  	_ =	shalt  }
0x62: {  	_ =	shalt  }
0x63: {  	_ =	shalt  }
0x64: {  	_ =	shalt  }
0x65: {  	_ =	shalt  }
0x66: {  	_ =	shalt  }
0x67: {  	_ =	shalt  }
0x68: {  	_ =	shalt  }
0x69: {  	_ =	shalt  }
0x6a: {  	_ =	shalt  }
0x6b: {  	_ =	shalt  }
0x6c: {  	_ =	shalt  }
0x6d: {  	_ =	shalt  }
0x6e: {  	_ =	shalt  }
0x6f: {  	_ =	shalt  }
0x70: {  	_ =	shalt  }
0x71: {  	_ =	shalt  }
0x72: {  	_ =	shalt  }
0x73: {  	_ =	shalt  }
0x74: {  	_ =	shalt  }
0x75: {  	_ =	shalt  }
0x76: {  	_ =	shalt  }
0x77: {  	_ =	shalt  }
0x78: {  	_ =	shalt  }
0x79: {  	_ =	shalt  }
0x7a: {  	_ =	shalt  }
0x7b: {  	_ =	shalt  }
0x7c: {  	_ =	shalt  }
0x7d: {  	_ =	shalt  }
0x7e: {  	_ =	shalt  }
0x7f: {  	_ =	shalt  }
0x80: {  	_ =	shalt  }
0x81: {  	_ =	shalt  }
0x82: {  	_ =	shalt  }
0x83: {  	_ =	shalt  }
0x84: {  	_ =	shalt  }
0x85: {  	_ =	shalt  }
0x86: {  	_ =	shalt  }
0x87: {  	_ =	shalt  }
.Lfunc_end0:
.L_simem_size_0:
called_computation.1_lowered:
.L_overlay_start_0:
0x88: {  	s2 =	sld [smem:$0x3FD9]  }
0x89: {  	s3 =	sld [smem:$0x3FFE];
	_ =	sdelay $0x1  }
0x8a: {  	s1 =	srdreg.scid  }
0x8b: {  	s0 =	sand.u32 $0x1, s1  }
0x8c: {  	s17 =	sshll.u32 s0, $0xA;
	s2 =	sadd.s32 s3, s2  }
0x8d: {  	s2 =	sadd.s32 s2, s17  }
0x8e: {  	[smem:$0x3FBE] =	sst s2  }
0x8f: {  	_ = 	snop  }
0x90: {  	s18 =	sld [smem:$0x3FC9]  }
0x91: {  	s4 =	sld [smem:$0x3FC8]  }
0x92: {  	s5 =	sld [smem:$0x3FC7];
	(tm) =	ssettm $0x1  }
0x93: {  	s19 =	sld [smem:$0x3FFB];
	_ =	sdelay $0x3  }
0x94: {  	_ =	strace s19  }
0x95: {  	s2 =	sld [smem:$0x3FFC];
	_ =	sdelay $0x3  }
0x96: {  	_ =	strace s2  }
0x97: {  	s2 =	sld [smem:$0x3FFD];
	_ =	sdelay $0x3  }
0x98: {  	_ =	strace s2  }
0x99: {  	_ =	strace $0x8FFFFFFF  }
0x9a: {  	s20 =	sld [smem:$0x3FDB];
	_ =	sdelay $0x1  }
0x9b: {  	s6 =	simm.s32 $_scs_section_size  }
0x9c: {  	s7 =	simm.s32 $_size__tile_overlayer_lowered;
	s8 =	simm.s32 $_tile_overlayer_lowered  }
0x9d: {  	s9 =	simm.s32 $0x1BFF;
	s21 =	sshll.u32 s8, $0x1;
	s6 =	sadd.s32 s6, s20  }
0x9e: {  	s22 =	simm.s32 $0x0;
	s7 =	sshll.u32 s7, $0x1;
	s8 =	sadd.s32 s21, s6  }
0x9f: {  	[timem:s22], [sflag:s9] =	dma.local [hbm:s8], s7  }
0xa0: {  	_ =	swait.ge [sflag:s9], s7  }
0xa1: {  	s7 =	ssub.s32 $0x0, s7;
	[sflag:s9] =	ssyncset.done $0x0  }
0xa2: {  	[sflag:s9] =	ssyncadd.s32 s7;
	_ =	sdelay $0x1  }
0xa3: {  	s23 =	simm.s32 $0x1B8B  }
0xa4: {  	_ =	swait.ge [sflag:s23], $0x1  }
0xa5: {  	[sflag:s23] =	ssyncset.done $0x0  }
0xa6: {  	[sflag:s23] =	ssyncadd.s32 $0xFFFFFFFF  }
0xa7: {  	s7 =	sld [smem:$0x0]  }
0xa8: {  	s8 =	sand.u32 $0xFFFFFFFE, s1  }
0xa9: {  	p0 =	sne.s32 s1, s8  }
0xaa: {  	s8 =	sshll.u32 @p0 s8, $0xE  }
0xab: {  	s8 =	sadd.s32 @p0 $0x11B8D, s8;
	s9 =	sshll.u32 @p0 s7, $0x11  }
0xac: {  	s8 =	sor.u32 @p0 s9, s8  }
0xad: {  	[sflag:s8] =	ssyncadd.remote.s32 @p0 $0x1;
	_ =	sdelay $0x1  }
0xae: {  	s8 =	simm.s32 @p0 $0x1B8D  }
0xaf: {  	_ =	swait.eq @p0 [sflag:s8], $0x1  }
0xb0: {  	[sflag:s8] =	ssyncadd.s32 @p0 $0xFFFFFFFF  }
0xb1: {  	s9 =	sshll.u32 @!p0 s1, $0xE  }
0xb2: {  	s9 =	sor.u32 @!p0 $0x4000, s9;
	s8 =	simm.s32 @!p0 $0x1B8D  }
0xb3: {  	s7 =	sshll.u32 @!p0 s7, $0x11;
	s9 =	sadd.s32 @!p0 $0x11B8D, s9;
	_ =	swait.eq @!p0 [sflag:s8], $0x1  }
0xb4: {  	s7 =	sor.u32 @!p0 s7, s9;
	[sflag:s8] =	ssyncadd.s32 @!p0 $0xFFFFFFFF  }
0xb5: {  	s25 =	simm.s32 $0x1B8E;
	s24 =	sld [smem:$0x3FFE];
	[sflag:s7] =	ssyncadd.remote.s32 @!p0 $0x1  }
0xb6: {  	s26 =	simm.s32 $execute0_lowered;
	[smem:$0x3FD2] =	sst s25  }
0xb7: {  	s8 =	sshll.u32 s26, $0x1;
	_ =	strace $0x80000049;
	[dreg:$0x1] =	wrdreg $0xFFFFFFFF  }
0xb8: {  	s28 =	simm.s32 $_size_execute0_lowered;
	s6 =	sadd.s32 s6, s8;
	[dreg:$0x0] =	wrdreg $0x0  }
0xb9: {  	s8 =	sshll.u32 s28, $0x1;
	[dreg:$0x2] =	wrdreg s6  }
0xba: {  	[dreg:$0x3] =	wrdreg s8  }
0xbb: {  	[dreg:$0x4] =	wrdreg $0xC0  }
0xbc: {  	_ =	task [dreg:s22], $0x5FFFF  }
0xbd: {  	[dreg:$0x1] =	wrdreg $0xFFFFFFFF  }
0xbe: {  	[dreg:$0x0] =	wrdreg $0x60  }
0xbf: {  	[dreg:$0x2] =	wrdreg s5  }
0xc0: {  	[dreg:$0x3] =	wrdreg s18  }
0xc1: {  	[dreg:$0x4] =	wrdreg s4  }
0xc2: {  	[dreg:$0x5] =	wrdreg s24  }
0xc3: {  	[dreg:$0x6] =	wrdreg $0xA  }
0xc4: {  	_ =	task.clear_ibuf [dreg:s22], $0x7FFFF;
	_ =	strace $0x90000049  }
0xc5: {  	s29 =	simm.s32 $0xA;
	_ =	strace $0x8000004B  }
0xc6: {  	_ =	swait.ge [sflag:s29], $0x1  }
0xc7: {  	[sflag:s29] =	ssyncadd.s32 $0xFFFFFFFF  }
0xc8: {  	_ =	strace $0x9000004B  }
0xc9: {  	_ =	sfence  }
0xca: {  	s30 =	sld [smem:$0x0];
	_ =	sdelay $0x2  }
0xcb: {  	s31 =	sshll.u32 s1, $0xD;
	s1 =	sshrl.u32 s1, $0x2  }
0xcc: {  	s4 =	sand.u32 $0x4000, s31;
	s1 =	sadd.s32 s1, s30  }
0xcd: {  	s0 =	sor.u32 s4, s0;
	s1 =	sshll.u32 s1, $0x11  }
0xce: {  	s0 =	sor.u32 s1, s0  }
0xcf: {  	s0 =	sadd.s32 $0x8F2B, s0  }
0xd0: {  	[sflag:s0] =	ssyncadd.remote.s32 $0x1  }
0xd1: {  	_ =	sfence.sel $0xFFFF  }
0xd2: {  	[dreg:$0x0] =	wrdreg $0xFFFFFFFF;
	(pc) =	sbr.abs _section_cstart, $3  }
0xd3: {  	[dreg:$0x1] =	wrdreg $0xFFFFFFFF  }
0xd4: {  	_ =	task.clear_ibuf [dreg:s22], $0x2FFFF;
	_ =	strace $0x9FFFFFFF  }
0xd5: {  	(tm) =	ssettm $0x7FFFFFFF  }
tec
execute0_lowered:
.L_overlay_start_1:
0x0: {  	(tag) =	ssettag $0x1  }
0x1: {  	s1 =	rddreg [dreg:$0x0]  }
0x2: {  	s0 =	rddreg [dreg:$0x1]  }
0x3: {  	s2 =	srdreg.scid;
	s4 =	rddreg [dreg:$0x2]  }
0x4: {  	s3 =	stileid.u32;
	s5 =	rddreg [dreg:$0x3];
	s31 =	simm.s32 $0x200  }
0x5: {  	s13 =	simm.s32 $0x2;
	s14 =	simm.s32 $0x3;
	s2 =	sand.u32 $0x1, s2  }
0x6: {  	s15 =	simm.s32 $0x4;
	s6 =	sshll.u32 s3, $0xA;
	s7 =	sshll.u32 s2, $0x9  }
0x7: {  	s3 =	simm.s32 $0x0;
	s8 =	sadd.s32 $0x51E00, s5;
	s6 =	sor.u32 s7, s6  }
0x8: {  	s5 =	sadd.s32 $0xD1E00, s5;
	[smem:$0x7FF] =	sst s3;
	s7 =	sshrl.u32 s6, $0x3  }
0x9: {  	_ =	strace $0x8000004A;
	[dreg:$0xf] =	wrdreg s31;
	s0 =	sadd.s32 s0, s7  }
0xa: {  	s19 =	sshll.u32 s6, $0x5;
	s18 =	sadd.s32 s4, s7;
	[dreg:$0x5] =	wrdreg s0  }
0xb: {  	s2 =	ssub.s32 $0x2, s2;
	s20 =	sadd.s32 s8, s19;
	[dreg:$0x6] =	wrdreg s18  }
0xc: {  	s6 =	sor.u32 $0x1000, s19;
	s25 =	sadd.s32 s5, s19;
	[dreg:$0x7] =	wrdreg s20  }
0xd: {  	s22 =	sor.u32 $0x2000, s19;
	s21 =	sadd.s32 s8, s6;
	[dreg:$0xb] =	wrdreg s25  }
0xe: {  	s9 =	sor.u32 $0x3000, s19;
	s23 =	sadd.s32 s8, s22;
	[dreg:$0x8] =	wrdreg s21  }
0xf: {  	s29 =	sshrl.u32 s2, $0x1;
	s24 =	sadd.s32 s8, s9;
	[dreg:$0x9] =	wrdreg s23  }
0x10: {  	s2 =	ssub.s32 s2, s29;
	s26 =	sadd.s32 s5, s6;
	[dreg:$0xa] =	wrdreg s24  }
0x11: {  	v2 =	vlaneseq.u32;
	s4 =	smax.u32 s2, $0x1;
	s28 =	sadd.s32 s5, s22;
	[dreg:$0xc] =	wrdreg s26  }
0x12: {  	vm0 =	vmmov $0xffff;
	v1 =	vshrl.u32 v2, $0x3;
	s30 =	sadd.s32 s5, s9;
	s22 =	simm.s32 $0x1;
	[dreg:$0xd] =	wrdreg s28  }
0x13: {  	v0 =	vand.u32 $0x7, v2;
	v2 =	vor.u32 $0x8, v2;
	v1 =	vmul.u32 $0x8, v1;
	[dreg:$0xe] =	wrdreg s30;
	s26 =	simm.s32 $0x400;
	s23 =	simm.s32 $0x8400  }
.LBB2_1:
0x14: {  	s16 =	rddreg [dreg:$0x5];
	s0 =	simm.s32 $0x5  }
0x15: {  	[tilespmem:s3], [sflag:$0x5] =	stream.linear.gather [hbm4b:s16+s3], $0x200, $0x38;
	[tilespmem:$0x10400] =	vst v63  }
0x16: {  	_ =	swait.ge [sflag:s0], $0x200  }
0x17: {  	s18 =	rddreg [dreg:$0x6];
	[sflag:s0] =	ssyncset.done $0x0  }
0x18: {  	s17 =	rddreg [dreg:$0xf];
	[sflag:s0] =	ssyncadd.s32 $0xFFFFFE00  }
0x19: {  	[tilespmem:s17], [sflag:$0x5] =	stream.linear.gather [hbm4b:s18+s3], $0x200, $0x38;
	[tilespmem:$0x10400] =	vst v63  }
0x1a: {  	_ =	swait.ge [sflag:s0], $0x200  }
0x1b: {  	[sflag:s0] =	ssyncset.done $0x0  }
0x1c: {  	[sflag:s0] =	ssyncadd.s32 $0xFFFFFE00  }
0x1d: {  	v3 =	vld [tilespmem:$0x0];
	_ =	sdelay $0x4  }
0x1e: {  	v4 =	vshll.u32 v3, $0x1  }
0x1f: {  	v3 =	vand.u32 $0x7, v3;
	v4 =	vand.u32 $0xFFFFFFF0, v4  }
0x20: {  	v3 =	vor.u32 v3, v4  }
0x21: {  	v4 =	vperm.xlane v3, v0;
	_ =	sdelay $0x1  }
0x22: {  	v3 =	vperm.xlane v3, v2;
	v4 =	vadd.s32 v1, v4;
	_ =	sdelay $0x1  }
0x23: {  	v3 =	vadd.s32 v1, v3;
	_ =	sdelay $0x2  }
0x24: {  	[tilespmem:s26], [sflag:$0x1] =	stream.indirect_vreg.gather [hbm4b:s1+s3], $0x80, v4, vm0, $0xb8;
	[tilespmem:$0x10400] =	vst v63  }
0x25: {  	s19 =	simm.s32 $0xC00  }
0x26: {  	[tilespmem:s19], [sflag:$0x1] =	stream.indirect_vreg.gather [hbm4b:s1+s3], $0x80, v3, vm0, $0xb8;
	[tilespmem:$0x10400] =	vst v63  }
0x27: {  	v3 =	vld [tilespmem:$0x10];
	_ =	sdelay $0x4  }
0x28: {  	v57 =	vshll.u32 v3, $0x1  }
0x29: {  	v3 =	vand.u32 $0x7, v3;
	v4 =	vand.u32 $0xFFFFFFF0, v57  }
0x2a: {  	v3 =	vor.u32 v3, v4  }
0x2b: {  	v4 =	vperm.xlane v3, v0;
	_ =	sdelay $0x1  }
0x2c: {  	v3 =	vperm.xlane v3, v2;
	v4 =	vadd.s32 v1, v4;
	_ =	sdelay $0x1  }
0x2d: {  	v3 =	vadd.s32 v1, v3;
	_ =	sdelay $0x1  }
0x2e: {  	s20 =	simm.s32 $0x1400  }
0x2f: {  	[tilespmem:s20], [sflag:$0x1] =	stream.indirect_vreg.gather [hbm4b:s1+s3], $0x80, v4, vm0, $0xb8;
	[tilespmem:$0x10400] =	vst v63  }
0x30: {  	s21 =	simm.s32 $0x1C00  }
0x31: {  	[tilespmem:s21], [sflag:$0x1] =	stream.indirect_vreg.gather [hbm4b:s1+s3], $0x80, v3, vm0, $0xb8;
	[tilespmem:$0x10400] =	vst v63  }
0x32: {  	v3 =	vld [tilespmem:$0x20];
	_ =	sdelay $0x4  }
0x33: {  	v58 =	vshll.u32 v3, $0x1  }
0x34: {  	v3 =	vand.u32 $0x7, v3;
	v4 =	vand.u32 $0xFFFFFFF0, v58  }
0x35: {  	v3 =	vor.u32 v3, v4  }
0x36: {  	v4 =	vperm.xlane v3, v0;
	_ =	sdelay $0x1  }
0x37: {  	v3 =	vperm.xlane v3, v2;
	v4 =	vadd.s32 v1, v4;
	_ =	sdelay $0x1  }
0x38: {  	v3 =	vadd.s32 v1, v3;
	_ =	sdelay $0x1  }
0x39: {  	s24 =	simm.s32 $0x2400  }
0x3a: {  	[tilespmem:s24], [sflag:$0x1] =	stream.indirect_vreg.gather [hbm4b:s1+s3], $0x80, v4, vm0, $0xb8;
	[tilespmem:$0x10400] =	vst v63  }
0x3b: {  	s25 =	simm.s32 $0x2C00  }
0x3c: {  	[tilespmem:s25], [sflag:$0x1] =	stream.indirect_vreg.gather [hbm4b:s1+s3], $0x80, v3, vm0, $0xb8;
	[tilespmem:$0x10400] =	vst v63  }
0x3d: {  	v3 =	vld [tilespmem:$0x30];
	_ =	sdelay $0x4  }
0x3e: {  	v59 =	vshll.u32 v3, $0x1  }
0x3f: {  	v3 =	vand.u32 $0x7, v3;
	v4 =	vand.u32 $0xFFFFFFF0, v59  }
0x40: {  	v3 =	vor.u32 v3, v4  }
0x41: {  	v4 =	vperm.xlane v3, v0;
	_ =	sdelay $0x1  }
0x42: {  	v3 =	vperm.xlane v3, v2;
	v4 =	vadd.s32 v1, v4;
	_ =	sdelay $0x1  }
0x43: {  	v3 =	vadd.s32 v1, v3;
	_ =	sdelay $0x1  }
0x44: {  	s28 =	simm.s32 $0x3400  }
0x45: {  	[tilespmem:s28], [sflag:$0x1] =	stream.indirect_vreg.gather [hbm4b:s1+s3], $0x80, v4, vm0, $0xb8;
	[tilespmem:$0x10400] =	vst v63  }
0x46: {  	s29 =	simm.s32 $0x3C00  }
0x47: {  	[tilespmem:s29], [sflag:$0x1] =	stream.indirect_vreg.gather [hbm4b:s1+s3], $0x80, v3, vm0, $0xb8;
	[tilespmem:$0x10400] =	vst v63  }
0x48: {  	v3 =	vld [tilespmem:$0x40];
	_ =	sdelay $0x4  }
0x49: {  	v60 =	vshll.u32 v3, $0x1  }
0x4a: {  	v3 =	vand.u32 $0x7, v3;
	v4 =	vand.u32 $0xFFFFFFF0, v60  }
0x4b: {  	v3 =	vor.u32 v3, v4  }
0x4c: {  	v4 =	vperm.xlane v3, v0;
	_ =	sdelay $0x1  }
0x4d: {  	v3 =	vperm.xlane v3, v2;
	v4 =	vadd.s32 v1, v4;
	_ =	sdelay $0x1  }
0x4e: {  	v3 =	vadd.s32 v1, v3;
	_ =	sdelay $0x1  }
0x4f: {  	s30 =	simm.s32 $0x4400  }
0x50: {  	[tilespmem:s30], [sflag:$0x1] =	stream.indirect_vreg.gather [hbm4b:s1+s3], $0x80, v4, vm0, $0xb8;
	[tilespmem:$0x10400] =	vst v63  }
0x51: {  	s31 =	simm.s32 $0x4C00  }
0x52: {  	[tilespmem:s31], [sflag:$0x1] =	stream.indirect_vreg.gather [hbm4b:s1+s3], $0x80, v3, vm0, $0xb8;
	[tilespmem:$0x10400] =	vst v63  }
0x53: {  	v3 =	vld [tilespmem:$0x50];
	_ =	sdelay $0x4  }
0x54: {  	v61 =	vshll.u32 v3, $0x1  }
0x55: {  	v3 =	vand.u32 $0x7, v3;
	v4 =	vand.u32 $0xFFFFFFF0, v61  }
0x56: {  	v3 =	vor.u32 v3, v4  }
0x57: {  	v4 =	vperm.xlane v3, v0;
	_ =	sdelay $0x1  }
0x58: {  	v3 =	vperm.xlane v3, v2;
	v4 =	vadd.s32 v1, v4;
	_ =	sdelay $0x1  }
0x59: {  	v3 =	vadd.s32 v1, v3;
	_ =	sdelay $0x1  }
0x5a: {  	s2 =	simm.s32 $0x5400  }
0x5b: {  	[tilespmem:s2], [sflag:$0x1] =	stream.indirect_vreg.gather [hbm4b:s1+s3], $0x80, v4, vm0, $0xb8;
	[tilespmem:$0x10400] =	vst v63  }
0x5c: {  	s8 =	simm.s32 $0x5C00  }
0x5d: {  	[tilespmem:s8], [sflag:$0x1] =	stream.indirect_vreg.gather [hbm4b:s1+s3], $0x80, v3, vm0, $0xb8;
	[tilespmem:$0x10400] =	vst v63  }
0x5e: {  	v3 =	vld [tilespmem:$0x60];
	_ =	sdelay $0x4  }
0x5f: {  	v62 =	vshll.u32 v3, $0x1  }
0x60: {  	v3 =	vand.u32 $0x7, v3;
	v4 =	vand.u32 $0xFFFFFFF0, v62  }
0x61: {  	v3 =	vor.u32 v3, v4  }
0x62: {  	v4 =	vperm.xlane v3, v0;
	_ =	sdelay $0x1  }
0x63: {  	v3 =	vperm.xlane v3, v2;
	v4 =	vadd.s32 v1, v4;
	_ =	sdelay $0x1  }
0x64: {  	v3 =	vadd.s32 v1, v3;
	_ =	sdelay $0x1  }
0x65: {  	s12 =	simm.s32 $0x6400  }
0x66: {  	[tilespmem:s12], [sflag:$0x1] =	stream.indirect_vreg.gather [hbm4b:s1+s3], $0x80, v4, vm0, $0xb8;
	[tilespmem:$0x10400] =	vst v63  }
0x67: {  	s16 =	simm.s32 $0x6C00  }
0x68: {  	[tilespmem:s16], [sflag:$0x1] =	stream.indirect_vreg.gather [hbm4b:s1+s3], $0x80, v3, vm0, $0xb8;
	[tilespmem:$0x10400] =	vst v63  }
0x69: {  	v3 =	vld [tilespmem:$0x70];
	_ =	sdelay $0x4  }
0x6a: {  	v63 =	vshll.u32 v3, $0x1  }
0x6b: {  	v3 =	vand.u32 $0x7, v3;
	v4 =	vand.u32 $0xFFFFFFF0, v63  }
0x6c: {  	v3 =	vor.u32 v3, v4  }
0x6d: {  	v4 =	vperm.xlane v3, v0;
	_ =	sdelay $0x1  }
0x6e: {  	v3 =	vperm.xlane v3, v2;
	v4 =	vadd.s32 v1, v4;
	_ =	sdelay $0x1  }
0x6f: {  	v3 =	vadd.s32 v1, v3;
	_ =	sdelay $0x1  }
0x70: {  	s18 =	simm.s32 $0x7400  }
0x71: {  	[tilespmem:s18], [sflag:$0x1] =	stream.indirect_vreg.gather [hbm4b:s1+s3], $0x80, v4, vm0, $0xb8;
	[tilespmem:$0x10400] =	vst v63  }
0x72: {  	s19 =	simm.s32 $0x7C00  }
0x73: {  	[tilespmem:s19], [sflag:$0x1] =	stream.indirect_vreg.gather [hbm4b:s1+s3], $0x80, v3, vm0, $0xb8;
	[tilespmem:$0x10400] =	vst v63  }
0x74: {  	_ =	swait.ge [sflag:s22], $0x8000  }
0x75: {  	[sflag:s22] =	ssyncset.done $0x0  }
0x76: {  	s20 =	rddreg [dreg:$0x7];
	[sflag:s22] =	ssyncadd.s32 $0xFFFF8000  }
0x77: {  	[hbm4b:s20+s3] =	stream.linear.scatter [tilespmem:s26], [sflag:$0x3], $0x8000, $0x38;
	[tilespmem:$0x10400] =	vst v63  }
0x78: {  	v3 =	vld [tilespmem:$0x80];
	_ =	sdelay $0x4  }
0x79: {  	v8 =	vshll.u32 v3, $0x1  }
0x7a: {  	v3 =	vand.u32 $0x7, v3;
	v4 =	vand.u32 $0xFFFFFFF0, v8  }
0x7b: {  	v3 =	vor.u32 v3, v4  }
0x7c: {  	v4 =	vperm.xlane v3, v0;
	_ =	sdelay $0x1  }
0x7d: {  	v3 =	vperm.xlane v3, v2;
	v4 =	vadd.s32 v1, v4;
	_ =	sdelay $0x1  }
0x7e: {  	v3 =	vadd.s32 v1, v3;
	_ =	sdelay $0x2  }
0x7f: {  	[tilespmem:s23], [sflag:$0x2] =	stream.indirect_vreg.gather [hbm4b:s1+s3], $0x80, v4, vm0, $0xb8;
	[tilespmem:$0x10400] =	vst v63  }
0x80: {  	s21 =	simm.s32 $0x8C00  }
0x81: {  	[tilespmem:s21], [sflag:$0x2] =	stream.indirect_vreg.gather [hbm4b:s1+s3], $0x80, v3, vm0, $0xb8;
	[tilespmem:$0x10400] =	vst v63  }
0x82: {  	v3 =	vld [tilespmem:$0x90];
	_ =	sdelay $0x4  }
0x83: {  	v9 =	vshll.u32 v3, $0x1  }
0x84: {  	v3 =	vand.u32 $0x7, v3;
	v4 =	vand.u32 $0xFFFFFFF0, v9  }
0x85: {  	v3 =	vor.u32 v3, v4  }
0x86: {  	v4 =	vperm.xlane v3, v0;
	_ =	sdelay $0x1  }
0x87: {  	v3 =	vperm.xlane v3, v2;
	v4 =	vadd.s32 v1, v4;
	_ =	sdelay $0x1  }
0x88: {  	v3 =	vadd.s32 v1, v3;
	_ =	sdelay $0x1  }
0x89: {  	s24 =	simm.s32 $0x9400  }
0x8a: {  	[tilespmem:s24], [sflag:$0x2] =	stream.indirect_vreg.gather [hbm4b:s1+s3], $0x80, v4, vm0, $0xb8;
	[tilespmem:$0x10400] =	vst v63  }
0x8b: {  	s25 =	simm.s32 $0x9C00  }
0x8c: {  	[tilespmem:s25], [sflag:$0x2] =	stream.indirect_vreg.gather [hbm4b:s1+s3], $0x80, v3, vm0, $0xb8;
	[tilespmem:$0x10400] =	vst v63  }
0x8d: {  	v3 =	vld [tilespmem:$0xA0];
	_ =	sdelay $0x4  }
0x8e: {  	v10 =	vshll.u32 v3, $0x1  }
0x8f: {  	v3 =	vand.u32 $0x7, v3;
	v4 =	vand.u32 $0xFFFFFFF0, v10  }
0x90: {  	v3 =	vor.u32 v3, v4  }
0x91: {  	v4 =	vperm.xlane v3, v0;
	_ =	sdelay $0x1  }
0x92: {  	v3 =	vperm.xlane v3, v2;
	v4 =	vadd.s32 v1, v4;
	_ =	sdelay $0x1  }
0x93: {  	v3 =	vadd.s32 v1, v3;
	_ =	sdelay $0x1  }
0x94: {  	s28 =	simm.s32 $0xA400  }
0x95: {  	[tilespmem:s28], [sflag:$0x2] =	stream.indirect_vreg.gather [hbm4b:s1+s3], $0x80, v4, vm0, $0xb8;
	[tilespmem:$0x10400] =	vst v63  }
0x96: {  	s29 =	simm.s32 $0xAC00  }
0x97: {  	[tilespmem:s29], [sflag:$0x2] =	stream.indirect_vreg.gather [hbm4b:s1+s3], $0x80, v3, vm0, $0xb8;
	[tilespmem:$0x10400] =	vst v63  }
0x98: {  	v3 =	vld [tilespmem:$0xB0];
	_ =	sdelay $0x4  }
0x99: {  	v11 =	vshll.u32 v3, $0x1  }
0x9a: {  	v3 =	vand.u32 $0x7, v3;
	v4 =	vand.u32 $0xFFFFFFF0, v11  }
0x9b: {  	v3 =	vor.u32 v3, v4  }
0x9c: {  	v4 =	vperm.xlane v3, v0;
	_ =	sdelay $0x1  }
0x9d: {  	v3 =	vperm.xlane v3, v2;
	v4 =	vadd.s32 v1, v4;
	_ =	sdelay $0x1  }
0x9e: {  	v3 =	vadd.s32 v1, v3;
	_ =	sdelay $0x1  }
0x9f: {  	s30 =	simm.s32 $0xB400  }
0xa0: {  	[tilespmem:s30], [sflag:$0x2] =	stream.indirect_vreg.gather [hbm4b:s1+s3], $0x80, v4, vm0, $0xb8;
	[tilespmem:$0x10400] =	vst v63  }
0xa1: {  	s31 =	simm.s32 $0xBC00  }
0xa2: {  	[tilespmem:s31], [sflag:$0x2] =	stream.indirect_vreg.gather [hbm4b:s1+s3], $0x80, v3, vm0, $0xb8;
	[tilespmem:$0x10400] =	vst v63  }
0xa3: {  	v3 =	vld [tilespmem:$0xC0];
	_ =	sdelay $0x4  }
0xa4: {  	v12 =	vshll.u32 v3, $0x1  }
0xa5: {  	v3 =	vand.u32 $0x7, v3;
	v4 =	vand.u32 $0xFFFFFFF0, v12  }
0xa6: {  	v3 =	vor.u32 v3, v4  }
0xa7: {  	v4 =	vperm.xlane v3, v0;
	_ =	sdelay $0x1  }
0xa8: {  	v3 =	vperm.xlane v3, v2;
	v4 =	vadd.s32 v1, v4;
	_ =	sdelay $0x1  }
0xa9: {  	v3 =	vadd.s32 v1, v3;
	_ =	sdelay $0x1  }
0xaa: {  	s0 =	simm.s32 $0xC400  }
0xab: {  	[tilespmem:s0], [sflag:$0x2] =	stream.indirect_vreg.gather [hbm4b:s1+s3], $0x80, v4, vm0, $0xb8;
	[tilespmem:$0x10400] =	vst v63  }
0xac: {  	s8 =	simm.s32 $0xCC00  }
0xad: {  	[tilespmem:s8], [sflag:$0x2] =	stream.indirect_vreg.gather [hbm4b:s1+s3], $0x80, v3, vm0, $0xb8;
	[tilespmem:$0x10400] =	vst v63  }
0xae: {  	v3 =	vld [tilespmem:$0xD0];
	_ =	sdelay $0x4  }
0xaf: {  	v13 =	vshll.u32 v3, $0x1  }
0xb0: {  	v3 =	vand.u32 $0x7, v3;
	v4 =	vand.u32 $0xFFFFFFF0, v13  }
0xb1: {  	v3 =	vor.u32 v3, v4  }
0xb2: {  	v4 =	vperm.xlane v3, v0;
	_ =	sdelay $0x1  }
0xb3: {  	v3 =	vperm.xlane v3, v2;
	v4 =	vadd.s32 v1, v4;
	_ =	sdelay $0x1  }
0xb4: {  	v3 =	vadd.s32 v1, v3;
	_ =	sdelay $0x1  }
0xb5: {  	s12 =	simm.s32 $0xD400  }
0xb6: {  	[tilespmem:s12], [sflag:$0x2] =	stream.indirect_vreg.gather [hbm4b:s1+s3], $0x80, v4, vm0, $0xb8;
	[tilespmem:$0x10400] =	vst v63  }
0xb7: {  	s18 =	simm.s32 $0xDC00  }
0xb8: {  	[tilespmem:s18], [sflag:$0x2] =	stream.indirect_vreg.gather [hbm4b:s1+s3], $0x80, v3, vm0, $0xb8;
	[tilespmem:$0x10400] =	vst v63  }
0xb9: {  	v3 =	vld [tilespmem:$0xE0];
	_ =	sdelay $0x4  }
0xba: {  	v14 =	vshll.u32 v3, $0x1  }
0xbb: {  	v3 =	vand.u32 $0x7, v3;
	v4 =	vand.u32 $0xFFFFFFF0, v14  }
0xbc: {  	v3 =	vor.u32 v3, v4  }
0xbd: {  	v4 =	vperm.xlane v3, v0;
	_ =	sdelay $0x1  }
0xbe: {  	v3 =	vperm.xlane v3, v2;
	v4 =	vadd.s32 v1, v4;
	_ =	sdelay $0x1  }
0xbf: {  	v3 =	vadd.s32 v1, v3;
	_ =	sdelay $0x1  }
0xc0: {  	s19 =	simm.s32 $0xE400  }
0xc1: {  	[tilespmem:s19], [sflag:$0x2] =	stream.indirect_vreg.gather [hbm4b:s1+s3], $0x80, v4, vm0, $0xb8;
	[tilespmem:$0x10400] =	vst v63  }
0xc2: {  	s21 =	simm.s32 $0xEC00  }
0xc3: {  	[tilespmem:s21], [sflag:$0x2] =	stream.indirect_vreg.gather [hbm4b:s1+s3], $0x80, v3, vm0, $0xb8;
	[tilespmem:$0x10400] =	vst v63  }
0xc4: {  	v3 =	vld [tilespmem:$0xF0];
	_ =	sdelay $0x4  }
0xc5: {  	v15 =	vshll.u32 v3, $0x1  }
0xc6: {  	v3 =	vand.u32 $0x7, v3;
	v4 =	vand.u32 $0xFFFFFFF0, v15  }
0xc7: {  	v3 =	vor.u32 v3, v4  }
0xc8: {  	v4 =	vperm.xlane v3, v0;
	_ =	sdelay $0x1  }
0xc9: {  	v3 =	vperm.xlane v3, v2;
	v4 =	vadd.s32 v1, v4;
	_ =	sdelay $0x1  }
0xca: {  	v3 =	vadd.s32 v1, v3;
	_ =	sdelay $0x1  }
0xcb: {  	s29 =	simm.s32 $0xF400  }
0xcc: {  	[tilespmem:s29], [sflag:$0x2] =	stream.indirect_vreg.gather [hbm4b:s1+s3], $0x80, v4, vm0, $0xb8;
	[tilespmem:$0x10400] =	vst v63  }
0xcd: {  	s31 =	simm.s32 $0xFC00  }
0xce: {  	[tilespmem:s31], [sflag:$0x2] =	stream.indirect_vreg.gather [hbm4b:s1+s3], $0x80, v3, vm0, $0xb8;
	[tilespmem:$0x10400] =	vst v63  }
0xcf: {  	_ =	swait.ge [sflag:s13], $0x8000  }
0xd0: {  	[sflag:s13] =	ssyncset.done $0x0  }
0xd1: {  	s0 =	rddreg [dreg:$0x8];
	[sflag:s13] =	ssyncadd.s32 $0xFFFF8000  }
0xd2: {  	[hbm4b:s0+s3] =	stream.linear.scatter [tilespmem:s23], [sflag:$0x4], $0x8000, $0x38;
	[tilespmem:$0x10400] =	vst v63  }
0xd3: {  	_ =	swait.ge [sflag:s14], $0x8000  }
0xd4: {  	[sflag:s14] =	ssyncset.done $0x0  }
0xd5: {  	[sflag:s14] =	ssyncadd.s32 $0xFFFF8000  }
0xd6: {  	v3 =	vld [tilespmem:$0x100];
	_ =	sdelay $0x4  }
0xd7: {  	v16 =	vshll.u32 v3, $0x1  }
0xd8: {  	v3 =	vand.u32 $0x7, v3;
	v4 =	vand.u32 $0xFFFFFFF0, v16  }
0xd9: {  	v3 =	vor.u32 v3, v4  }
0xda: {  	v4 =	vperm.xlane v3, v0;
	_ =	sdelay $0x1  }
0xdb: {  	v3 =	vperm.xlane v3, v2;
	v4 =	vadd.s32 v1, v4;
	_ =	sdelay $0x1  }
0xdc: {  	v3 =	vadd.s32 v1, v3;
	_ =	sdelay $0x2  }
0xdd: {  	[tilespmem:s26], [sflag:$0x1] =	stream.indirect_vreg.gather [hbm4b:s1+s3], $0x80, v4, vm0, $0xb8;
	[tilespmem:$0x10400] =	vst v63  }
0xde: {  	s8 =	simm.s32 $0xC00  }
0xdf: {  	[tilespmem:s8], [sflag:$0x1] =	stream.indirect_vreg.gather [hbm4b:s1+s3], $0x80, v3, vm0, $0xb8;
	[tilespmem:$0x10400] =	vst v63  }
0xe0: {  	v3 =	vld [tilespmem:$0x110];
	_ =	sdelay $0x4  }
0xe1: {  	v17 =	vshll.u32 v3, $0x1  }
0xe2: {  	v3 =	vand.u32 $0x7, v3;
	v4 =	vand.u32 $0xFFFFFFF0, v17  }
0xe3: {  	v3 =	vor.u32 v3, v4  }
0xe4: {  	v4 =	vperm.xlane v3, v0;
	_ =	sdelay $0x1  }
0xe5: {  	v3 =	vperm.xlane v3, v2;
	v4 =	vadd.s32 v1, v4;
	_ =	sdelay $0x1  }
0xe6: {  	v3 =	vadd.s32 v1, v3;
	_ =	sdelay $0x1  }
0xe7: {  	s5 =	simm.s32 $0x1400  }
0xe8: {  	[tilespmem:s5], [sflag:$0x1] =	stream.indirect_vreg.gather [hbm4b:s1+s3], $0x80, v4, vm0, $0xb8;
	[tilespmem:$0x10400] =	vst v63  }
0xe9: {  	s21 =	simm.s32 $0x1C00  }
0xea: {  	[tilespmem:s21], [sflag:$0x1] =	stream.indirect_vreg.gather [hbm4b:s1+s3], $0x80, v3, vm0, $0xb8;
	[tilespmem:$0x10400] =	vst v63  }
0xeb: {  	v3 =	vld [tilespmem:$0x120];
	_ =	sdelay $0x4  }
0xec: {  	v18 =	vshll.u32 v3, $0x1  }
0xed: {  	v3 =	vand.u32 $0x7, v3;
	v4 =	vand.u32 $0xFFFFFFF0, v18  }
0xee: {  	v3 =	vor.u32 v3, v4  }
0xef: {  	v4 =	vperm.xlane v3, v0;
	_ =	sdelay $0x1  }
0xf0: {  	v3 =	vperm.xlane v3, v2;
	v4 =	vadd.s32 v1, v4;
	_ =	sdelay $0x1  }
0xf1: {  	v3 =	vadd.s32 v1, v3;
	_ =	sdelay $0x1  }
0xf2: {  	s6 =	simm.s32 $0x2400  }
0xf3: {  	[tilespmem:s6], [sflag:$0x1] =	stream.indirect_vreg.gather [hbm4b:s1+s3], $0x80, v4, vm0, $0xb8;
	[tilespmem:$0x10400] =	vst v63  }
0xf4: {  	s9 =	simm.s32 $0x2C00  }
0xf5: {  	[tilespmem:s9], [sflag:$0x1] =	stream.indirect_vreg.gather [hbm4b:s1+s3], $0x80, v3, vm0, $0xb8;
	[tilespmem:$0x10400] =	vst v63  }
0xf6: {  	v3 =	vld [tilespmem:$0x130];
	_ =	sdelay $0x4  }
0xf7: {  	v19 =	vshll.u32 v3, $0x1  }
0xf8: {  	v3 =	vand.u32 $0x7, v3;
	v4 =	vand.u32 $0xFFFFFFF0, v19  }
0xf9: {  	v3 =	vor.u32 v3, v4  }
0xfa: {  	v4 =	vperm.xlane v3, v0;
	_ =	sdelay $0x1  }
0xfb: {  	v3 =	vperm.xlane v3, v2;
	v4 =	vadd.s32 v1, v4;
	_ =	sdelay $0x1  }
0xfc: {  	v3 =	vadd.s32 v1, v3;
	_ =	sdelay $0x1  }
0xfd: {  	s7 =	simm.s32 $0x3400  }
0xfe: {  	[tilespmem:s7], [sflag:$0x1] =	stream.indirect_vreg.gather [hbm4b:s1+s3], $0x80, v4, vm0, $0xb8;
	[tilespmem:$0x10400] =	vst v63  }
0xff: {  	s11 =	simm.s32 $0x3C00  }
0x100: {  	[tilespmem:s11], [sflag:$0x1] =	stream.indirect_vreg.gather [hbm4b:s1+s3], $0x80, v3, vm0, $0xb8;
	[tilespmem:$0x10400] =	vst v63  }
0x101: {  	v3 =	vld [tilespmem:$0x140];
	_ =	sdelay $0x4  }
0x102: {  	v20 =	vshll.u32 v3, $0x1  }
0x103: {  	v3 =	vand.u32 $0x7, v3;
	v4 =	vand.u32 $0xFFFFFFF0, v20  }
0x104: {  	v3 =	vor.u32 v3, v4  }
0x105: {  	v4 =	vperm.xlane v3, v0;
	_ =	sdelay $0x1  }
0x106: {  	v3 =	vperm.xlane v3, v2;
	v4 =	vadd.s32 v1, v4;
	_ =	sdelay $0x1  }
0x107: {  	v3 =	vadd.s32 v1, v3;
	_ =	sdelay $0x1  }
0x108: {  	s9 =	simm.s32 $0x4400  }
0x109: {  	[tilespmem:s9], [sflag:$0x1] =	stream.indirect_vreg.gather [hbm4b:s1+s3], $0x80, v4, vm0, $0xb8;
	[tilespmem:$0x10400] =	vst v63  }
0x10a: {  	s12 =	simm.s32 $0x4C00  }
0x10b: {  	[tilespmem:s12], [sflag:$0x1] =	stream.indirect_vreg.gather [hbm4b:s1+s3], $0x80, v3, vm0, $0xb8;
	[tilespmem:$0x10400] =	vst v63  }
0x10c: {  	v3 =	vld [tilespmem:$0x150];
	_ =	sdelay $0x4  }
0x10d: {  	v21 =	vshll.u32 v3, $0x1  }
0x10e: {  	v3 =	vand.u32 $0x7, v3;
	v4 =	vand.u32 $0xFFFFFFF0, v21  }
0x10f: {  	v3 =	vor.u32 v3, v4  }
0x110: {  	v4 =	vperm.xlane v3, v0;
	_ =	sdelay $0x1  }
0x111: {  	v3 =	vperm.xlane v3, v2;
	v4 =	vadd.s32 v1, v4;
	_ =	sdelay $0x1  }
0x112: {  	v3 =	vadd.s32 v1, v3;
	_ =	sdelay $0x1  }
0x113: {  	s10 =	simm.s32 $0x5400  }
0x114: {  	[tilespmem:s10], [sflag:$0x1] =	stream.indirect_vreg.gather [hbm4b:s1+s3], $0x80, v4, vm0, $0xb8;
	[tilespmem:$0x10400] =	vst v63  }
0x115: {  	s17 =	simm.s32 $0x5C00  }
0x116: {  	[tilespmem:s17], [sflag:$0x1] =	stream.indirect_vreg.gather [hbm4b:s1+s3], $0x80, v3, vm0, $0xb8;
	[tilespmem:$0x10400] =	vst v63  }
0x117: {  	v3 =	vld [tilespmem:$0x160];
	_ =	sdelay $0x4  }
0x118: {  	v22 =	vshll.u32 v3, $0x1  }
0x119: {  	v3 =	vand.u32 $0x7, v3;
	v4 =	vand.u32 $0xFFFFFFF0, v22  }
0x11a: {  	v3 =	vor.u32 v3, v4  }
0x11b: {  	v4 =	vperm.xlane v3, v0;
	_ =	sdelay $0x1  }
0x11c: {  	v3 =	vperm.xlane v3, v2;
	v4 =	vadd.s32 v1, v4;
	_ =	sdelay $0x1  }
0x11d: {  	v3 =	vadd.s32 v1, v3;
	_ =	sdelay $0x1  }
0x11e: {  	s17 =	simm.s32 $0x6400  }
0x11f: {  	[tilespmem:s17], [sflag:$0x1] =	stream.indirect_vreg.gather [hbm4b:s1+s3], $0x80, v4, vm0, $0xb8;
	[tilespmem:$0x10400] =	vst v63  }
0x120: {  	s10 =	simm.s32 $0x6C00  }
0x121: {  	[tilespmem:s10], [sflag:$0x1] =	stream.indirect_vreg.gather [hbm4b:s1+s3], $0x80, v3, vm0, $0xb8;
	[tilespmem:$0x10400] =	vst v63  }
0x122: {  	v3 =	vld [tilespmem:$0x170];
	_ =	sdelay $0x4  }
0x123: {  	v23 =	vshll.u32 v3, $0x1  }
0x124: {  	v3 =	vand.u32 $0x7, v3;
	v4 =	vand.u32 $0xFFFFFFF0, v23  }
0x125: {  	v3 =	vor.u32 v3, v4  }
0x126: {  	v4 =	vperm.xlane v3, v0;
	_ =	sdelay $0x1  }
0x127: {  	v3 =	vperm.xlane v3, v2;
	v4 =	vadd.s32 v1, v4;
	_ =	sdelay $0x1  }
0x128: {  	v3 =	vadd.s32 v1, v3;
	_ =	sdelay $0x1  }
0x129: {  	s7 =	simm.s32 $0x7400  }
0x12a: {  	[tilespmem:s7], [sflag:$0x1] =	stream.indirect_vreg.gather [hbm4b:s1+s3], $0x80, v4, vm0, $0xb8;
	[tilespmem:$0x10400] =	vst v63  }
0x12b: {  	s11 =	simm.s32 $0x7C00  }
0x12c: {  	[tilespmem:s11], [sflag:$0x1] =	stream.indirect_vreg.gather [hbm4b:s1+s3], $0x80, v3, vm0, $0xb8;
	[tilespmem:$0x10400] =	vst v63  }
0x12d: {  	_ =	swait.ge [sflag:s22], $0x8000  }
0x12e: {  	[sflag:s22] =	ssyncset.done $0x0  }
0x12f: {  	s6 =	rddreg [dreg:$0x9];
	[sflag:s22] =	ssyncadd.s32 $0xFFFF8000  }
0x130: {  	[hbm4b:s6+s3] =	stream.linear.scatter [tilespmem:s26], [sflag:$0x3], $0x8000, $0x38;
	[tilespmem:$0x10400] =	vst v63  }
0x131: {  	_ =	swait.ge [sflag:s15], $0x8000  }
0x132: {  	[sflag:s15] =	ssyncset.done $0x0  }
0x133: {  	[sflag:s15] =	ssyncadd.s32 $0xFFFF8000  }
0x134: {  	v3 =	vld [tilespmem:$0x180];
	_ =	sdelay $0x4  }
0x135: {  	v24 =	vshll.u32 v3, $0x1  }
0x136: {  	v3 =	vand.u32 $0x7, v3;
	v4 =	vand.u32 $0xFFFFFFF0, v24  }
0x137: {  	v3 =	vor.u32 v3, v4  }
0x138: {  	v4 =	vperm.xlane v3, v0;
	_ =	sdelay $0x1  }
0x139: {  	v3 =	vperm.xlane v3, v2;
	v4 =	vadd.s32 v1, v4;
	_ =	sdelay $0x1  }
0x13a: {  	v3 =	vadd.s32 v1, v3;
	_ =	sdelay $0x2  }
0x13b: {  	[tilespmem:s23], [sflag:$0x2] =	stream.indirect_vreg.gather [hbm4b:s1+s3], $0x80, v4, vm0, $0xb8;
	[tilespmem:$0x10400] =	vst v63  }
0x13c: {  	s2 =	simm.s32 $0x8C00  }
0x13d: {  	[tilespmem:s2], [sflag:$0x2] =	stream.indirect_vreg.gather [hbm4b:s1+s3], $0x80, v3, vm0, $0xb8;
	[tilespmem:$0x10400] =	vst v63  }
0x13e: {  	v3 =	vld [tilespmem:$0x190];
	_ =	sdelay $0x4  }
0x13f: {  	v25 =	vshll.u32 v3, $0x1  }
0x140: {  	v3 =	vand.u32 $0x7, v3;
	v4 =	vand.u32 $0xFFFFFFF0, v25  }
0x141: {  	v3 =	vor.u32 v3, v4  }
0x142: {  	v4 =	vperm.xlane v3, v0;
	_ =	sdelay $0x1  }
0x143: {  	v3 =	vperm.xlane v3, v2;
	v4 =	vadd.s32 v1, v4;
	_ =	sdelay $0x1  }
0x144: {  	v3 =	vadd.s32 v1, v3;
	_ =	sdelay $0x1  }
0x145: {  	s0 =	simm.s32 $0x9400  }
0x146: {  	[tilespmem:s0], [sflag:$0x2] =	stream.indirect_vreg.gather [hbm4b:s1+s3], $0x80, v4, vm0, $0xb8;
	[tilespmem:$0x10400] =	vst v63  }
0x147: {  	s5 =	simm.s32 $0x9C00  }
0x148: {  	[tilespmem:s5], [sflag:$0x2] =	stream.indirect_vreg.gather [hbm4b:s1+s3], $0x80, v3, vm0, $0xb8;
	[tilespmem:$0x10400] =	vst v63  }
0x149: {  	v3 =	vld [tilespmem:$0x1A0];
	_ =	sdelay $0x4  }
0x14a: {  	v26 =	vshll.u32 v3, $0x1  }
0x14b: {  	v3 =	vand.u32 $0x7, v3;
	v4 =	vand.u32 $0xFFFFFFF0, v26  }
0x14c: {  	v3 =	vor.u32 v3, v4  }
0x14d: {  	v4 =	vperm.xlane v3, v0;
	_ =	sdelay $0x1  }
0x14e: {  	v3 =	vperm.xlane v3, v2;
	v4 =	vadd.s32 v1, v4;
	_ =	sdelay $0x1  }
0x14f: {  	v3 =	vadd.s32 v1, v3;
	_ =	sdelay $0x1  }
0x150: {  	s2 =	simm.s32 $0xA400  }
0x151: {  	[tilespmem:s2], [sflag:$0x2] =	stream.indirect_vreg.gather [hbm4b:s1+s3], $0x80, v4, vm0, $0xb8;
	[tilespmem:$0x10400] =	vst v63  }
0x152: {  	s6 =	simm.s32 $0xAC00  }
0x153: {  	[tilespmem:s6], [sflag:$0x2] =	stream.indirect_vreg.gather [hbm4b:s1+s3], $0x80, v3, vm0, $0xb8;
	[tilespmem:$0x10400] =	vst v63  }
0x154: {  	v3 =	vld [tilespmem:$0x1B0];
	_ =	sdelay $0x4  }
0x155: {  	v27 =	vshll.u32 v3, $0x1  }
0x156: {  	v3 =	vand.u32 $0x7, v3;
	v4 =	vand.u32 $0xFFFFFFF0, v27  }
0x157: {  	v3 =	vor.u32 v3, v4  }
0x158: {  	v4 =	vperm.xlane v3, v0;
	_ =	sdelay $0x1  }
0x159: {  	v3 =	vperm.xlane v3, v2;
	v4 =	vadd.s32 v1, v4;
	_ =	sdelay $0x1  }
0x15a: {  	v3 =	vadd.s32 v1, v3;
	_ =	sdelay $0x1  }
0x15b: {  	s28 =	simm.s32 $0xB400  }
0x15c: {  	[tilespmem:s28], [sflag:$0x2] =	stream.indirect_vreg.gather [hbm4b:s1+s3], $0x80, v4, vm0, $0xb8;
	[tilespmem:$0x10400] =	vst v63  }
0x15d: {  	s20 =	simm.s32 $0xBC00  }
0x15e: {  	[tilespmem:s20], [sflag:$0x2] =	stream.indirect_vreg.gather [hbm4b:s1+s3], $0x80, v3, vm0, $0xb8;
	[tilespmem:$0x10400] =	vst v63  }
0x15f: {  	v3 =	vld [tilespmem:$0x1C0];
	_ =	sdelay $0x4  }
0x160: {  	v28 =	vshll.u32 v3, $0x1  }
0x161: {  	v3 =	vand.u32 $0x7, v3;
	v4 =	vand.u32 $0xFFFFFFF0, v28  }
0x162: {  	v3 =	vor.u32 v3, v4  }
0x163: {  	v4 =	vperm.xlane v3, v0;
	_ =	sdelay $0x1  }
0x164: {  	v3 =	vperm.xlane v3, v2;
	v4 =	vadd.s32 v1, v4;
	_ =	sdelay $0x1  }
0x165: {  	v3 =	vadd.s32 v1, v3;
	_ =	sdelay $0x1  }
0x166: {  	s30 =	simm.s32 $0xC400  }
0x167: {  	[tilespmem:s30], [sflag:$0x2] =	stream.indirect_vreg.gather [hbm4b:s1+s3], $0x80, v4, vm0, $0xb8;
	[tilespmem:$0x10400] =	vst v63  }
0x168: {  	s24 =	simm.s32 $0xCC00  }
0x169: {  	[tilespmem:s24], [sflag:$0x2] =	stream.indirect_vreg.gather [hbm4b:s1+s3], $0x80, v3, vm0, $0xb8;
	[tilespmem:$0x10400] =	vst v63  }
0x16a: {  	v3 =	vld [tilespmem:$0x1D0];
	_ =	sdelay $0x4  }
0x16b: {  	v29 =	vshll.u32 v3, $0x1  }
0x16c: {  	v3 =	vand.u32 $0x7, v3;
	v4 =	vand.u32 $0xFFFFFFF0, v29  }
0x16d: {  	v3 =	vor.u32 v3, v4  }
0x16e: {  	v4 =	vperm.xlane v3, v0;
	_ =	sdelay $0x1  }
0x16f: {  	v3 =	vperm.xlane v3, v2;
	v4 =	vadd.s32 v1, v4;
	_ =	sdelay $0x1  }
0x170: {  	v3 =	vadd.s32 v1, v3;
	_ =	sdelay $0x1  }
0x171: {  	s24 =	simm.s32 $0xD400  }
0x172: {  	[tilespmem:s24], [sflag:$0x2] =	stream.indirect_vreg.gather [hbm4b:s1+s3], $0x80, v4, vm0, $0xb8;
	[tilespmem:$0x10400] =	vst v63  }
0x173: {  	s25 =	simm.s32 $0xDC00  }
0x174: {  	[tilespmem:s25], [sflag:$0x2] =	stream.indirect_vreg.gather [hbm4b:s1+s3], $0x80, v3, vm0, $0xb8;
	[tilespmem:$0x10400] =	vst v63  }
0x175: {  	v3 =	vld [tilespmem:$0x1E0];
	_ =	sdelay $0x4  }
0x176: {  	v30 =	vshll.u32 v3, $0x1  }
0x177: {  	v3 =	vand.u32 $0x7, v3;
	v4 =	vand.u32 $0xFFFFFFF0, v30  }
0x178: {  	v3 =	vor.u32 v3, v4  }
0x179: {  	v4 =	vperm.xlane v3, v0;
	_ =	sdelay $0x1  }
0x17a: {  	v3 =	vperm.xlane v3, v2;
	v4 =	vadd.s32 v1, v4;
	_ =	sdelay $0x1  }
0x17b: {  	v3 =	vadd.s32 v1, v3;
	_ =	sdelay $0x1  }
0x17c: {  	s25 =	simm.s32 $0xE400  }
0x17d: {  	[tilespmem:s25], [sflag:$0x2] =	stream.indirect_vreg.gather [hbm4b:s1+s3], $0x80, v4, vm0, $0xb8;
	[tilespmem:$0x10400] =	vst v63  }
0x17e: {  	s18 =	simm.s32 $0xEC00  }
0x17f: {  	[tilespmem:s18], [sflag:$0x2] =	stream.indirect_vreg.gather [hbm4b:s1+s3], $0x80, v3, vm0, $0xb8;
	[tilespmem:$0x10400] =	vst v63  }
0x180: {  	v3 =	vld [tilespmem:$0x1F0];
	_ =	sdelay $0x4  }
0x181: {  	v31 =	vshll.u32 v3, $0x1  }
0x182: {  	v3 =	vand.u32 $0x7, v3;
	v4 =	vand.u32 $0xFFFFFFF0, v31  }
0x183: {  	v3 =	vor.u32 v3, v4  }
0x184: {  	v4 =	vperm.xlane v3, v0;
	_ =	sdelay $0x1  }
0x185: {  	v3 =	vperm.xlane v3, v2;
	v4 =	vadd.s32 v1, v4;
	_ =	sdelay $0x1  }
0x186: {  	v3 =	vadd.s32 v1, v3;
	_ =	sdelay $0x1  }
0x187: {  	s18 =	simm.s32 $0xF400  }
0x188: {  	[tilespmem:s18], [sflag:$0x2] =	stream.indirect_vreg.gather [hbm4b:s1+s3], $0x80, v4, vm0, $0xb8;
	[tilespmem:$0x10400] =	vst v63  }
0x189: {  	s19 =	simm.s32 $0xFC00  }
0x18a: {  	[tilespmem:s19], [sflag:$0x2] =	stream.indirect_vreg.gather [hbm4b:s1+s3], $0x80, v3, vm0, $0xb8;
	[tilespmem:$0x10400] =	vst v63  }
0x18b: {  	_ =	swait.ge [sflag:s13], $0x8000  }
0x18c: {  	[sflag:s13] =	ssyncset.done $0x0  }
0x18d: {  	s19 =	rddreg [dreg:$0xa];
	[sflag:s13] =	ssyncadd.s32 $0xFFFF8000  }
0x18e: {  	[hbm4b:s19+s3] =	stream.linear.scatter [tilespmem:s23], [sflag:$0x4], $0x8000, $0x38;
	[tilespmem:$0x10400] =	vst v63  }
0x18f: {  	_ =	swait.ge [sflag:s14], $0x8000  }
0x190: {  	[sflag:s14] =	ssyncset.done $0x0  }
0x191: {  	[sflag:s14] =	ssyncadd.s32 $0xFFFF8000  }
0x192: {  	v3 =	vld [tilespmem:$0x200];
	_ =	sdelay $0x4  }
0x193: {  	v32 =	vshll.u32 v3, $0x1  }
0x194: {  	v3 =	vand.u32 $0x7, v3;
	v4 =	vand.u32 $0xFFFFFFF0, v32  }
0x195: {  	v3 =	vor.u32 v3, v4  }
0x196: {  	v4 =	vperm.xlane v3, v0;
	_ =	sdelay $0x1  }
0x197: {  	v3 =	vperm.xlane v3, v2;
	v4 =	vadd.s32 v1, v4;
	_ =	sdelay $0x1  }
0x198: {  	v3 =	vadd.s32 v1, v3;
	_ =	sdelay $0x2  }
0x199: {  	[tilespmem:s26], [sflag:$0x1] =	stream.indirect_vreg.gather [hbm4b:s1+s3], $0x80, v4, vm0, $0xb8;
	[tilespmem:$0x10400] =	vst v63  }
0x19a: {  	_ = 	snop  }
0x19b: {  	[tilespmem:s8], [sflag:$0x1] =	stream.indirect_vreg.gather [hbm4b:s1+s3], $0x80, v3, vm0, $0xb8;
	[tilespmem:$0x10400] =	vst v63  }
0x19c: {  	v3 =	vld [tilespmem:$0x210];
	_ =	sdelay $0x4  }
0x19d: {  	v33 =	vshll.u32 v3, $0x1  }
0x19e: {  	v3 =	vand.u32 $0x7, v3;
	v4 =	vand.u32 $0xFFFFFFF0, v33  }
0x19f: {  	v3 =	vor.u32 v3, v4  }
0x1a0: {  	v4 =	vperm.xlane v3, v0;
	_ =	sdelay $0x1  }
0x1a1: {  	v3 =	vperm.xlane v3, v2;
	v4 =	vadd.s32 v1, v4;
	_ =	sdelay $0x1  }
0x1a2: {  	v3 =	vadd.s32 v1, v3;
	_ =	sdelay $0x1  }
0x1a3: {  	s19 =	simm.s32 $0x1400  }
0x1a4: {  	[tilespmem:s19], [sflag:$0x1] =	stream.indirect_vreg.gather [hbm4b:s1+s3], $0x80, v4, vm0, $0xb8;
	[tilespmem:$0x10400] =	vst v63  }
0x1a5: {  	_ = 	snop  }
0x1a6: {  	[tilespmem:s21], [sflag:$0x1] =	stream.indirect_vreg.gather [hbm4b:s1+s3], $0x80, v3, vm0, $0xb8;
	[tilespmem:$0x10400] =	vst v63  }
0x1a7: {  	v3 =	vld [tilespmem:$0x220];
	_ =	sdelay $0x4  }
0x1a8: {  	v34 =	vshll.u32 v3, $0x1  }
0x1a9: {  	v3 =	vand.u32 $0x7, v3;
	v4 =	vand.u32 $0xFFFFFFF0, v34  }
0x1aa: {  	v3 =	vor.u32 v3, v4  }
0x1ab: {  	v4 =	vperm.xlane v3, v0;
	_ =	sdelay $0x1  }
0x1ac: {  	v3 =	vperm.xlane v3, v2;
	v4 =	vadd.s32 v1, v4;
	_ =	sdelay $0x1  }
0x1ad: {  	v3 =	vadd.s32 v1, v3;
	_ =	sdelay $0x1  }
0x1ae: {  	s21 =	simm.s32 $0x2400  }
0x1af: {  	[tilespmem:s21], [sflag:$0x1] =	stream.indirect_vreg.gather [hbm4b:s1+s3], $0x80, v4, vm0, $0xb8;
	[tilespmem:$0x10400] =	vst v63  }
0x1b0: {  	s21 =	simm.s32 $0x2C00  }
0x1b1: {  	[tilespmem:s21], [sflag:$0x1] =	stream.indirect_vreg.gather [hbm4b:s1+s3], $0x80, v3, vm0, $0xb8;
	[tilespmem:$0x10400] =	vst v63  }
0x1b2: {  	v3 =	vld [tilespmem:$0x230];
	_ =	sdelay $0x4  }
0x1b3: {  	v35 =	vshll.u32 v3, $0x1  }
0x1b4: {  	v3 =	vand.u32 $0x7, v3;
	v4 =	vand.u32 $0xFFFFFFF0, v35  }
0x1b5: {  	v3 =	vor.u32 v3, v4  }
0x1b6: {  	v4 =	vperm.xlane v3, v0;
	_ =	sdelay $0x1  }
0x1b7: {  	v3 =	vperm.xlane v3, v2;
	v4 =	vadd.s32 v1, v4;
	_ =	sdelay $0x1  }
0x1b8: {  	v3 =	vadd.s32 v1, v3;
	_ =	sdelay $0x1  }
0x1b9: {  	s21 =	simm.s32 $0x3400  }
0x1ba: {  	[tilespmem:s21], [sflag:$0x1] =	stream.indirect_vreg.gather [hbm4b:s1+s3], $0x80, v4, vm0, $0xb8;
	[tilespmem:$0x10400] =	vst v63  }
0x1bb: {  	s21 =	simm.s32 $0x3C00  }
0x1bc: {  	[tilespmem:s21], [sflag:$0x1] =	stream.indirect_vreg.gather [hbm4b:s1+s3], $0x80, v3, vm0, $0xb8;
	[tilespmem:$0x10400] =	vst v63  }
0x1bd: {  	v3 =	vld [tilespmem:$0x240];
	_ =	sdelay $0x4  }
0x1be: {  	v36 =	vshll.u32 v3, $0x1  }
0x1bf: {  	v3 =	vand.u32 $0x7, v3;
	v4 =	vand.u32 $0xFFFFFFF0, v36  }
0x1c0: {  	v3 =	vor.u32 v3, v4  }
0x1c1: {  	v4 =	vperm.xlane v3, v0;
	_ =	sdelay $0x1  }
0x1c2: {  	v3 =	vperm.xlane v3, v2;
	v4 =	vadd.s32 v1, v4;
	_ =	sdelay $0x1  }
0x1c3: {  	v3 =	vadd.s32 v1, v3;
	_ =	sdelay $0x2  }
0x1c4: {  	[tilespmem:s9], [sflag:$0x1] =	stream.indirect_vreg.gather [hbm4b:s1+s3], $0x80, v4, vm0, $0xb8;
	[tilespmem:$0x10400] =	vst v63  }
0x1c5: {  	_ = 	snop  }
0x1c6: {  	[tilespmem:s12], [sflag:$0x1] =	stream.indirect_vreg.gather [hbm4b:s1+s3], $0x80, v3, vm0, $0xb8;
	[tilespmem:$0x10400] =	vst v63  }
0x1c7: {  	v3 =	vld [tilespmem:$0x250];
	_ =	sdelay $0x4  }
0x1c8: {  	v37 =	vshll.u32 v3, $0x1  }
0x1c9: {  	v3 =	vand.u32 $0x7, v3;
	v4 =	vand.u32 $0xFFFFFFF0, v37  }
0x1ca: {  	v3 =	vor.u32 v3, v4  }
0x1cb: {  	v4 =	vperm.xlane v3, v0;
	_ =	sdelay $0x1  }
0x1cc: {  	v3 =	vperm.xlane v3, v2;
	v4 =	vadd.s32 v1, v4;
	_ =	sdelay $0x1  }
0x1cd: {  	v3 =	vadd.s32 v1, v3;
	_ =	sdelay $0x1  }
0x1ce: {  	s21 =	simm.s32 $0x5400  }
0x1cf: {  	[tilespmem:s21], [sflag:$0x1] =	stream.indirect_vreg.gather [hbm4b:s1+s3], $0x80, v4, vm0, $0xb8;
	[tilespmem:$0x10400] =	vst v63  }
0x1d0: {  	s21 =	simm.s32 $0x5C00  }
0x1d1: {  	[tilespmem:s21], [sflag:$0x1] =	stream.indirect_vreg.gather [hbm4b:s1+s3], $0x80, v3, vm0, $0xb8;
	[tilespmem:$0x10400] =	vst v63  }
0x1d2: {  	v3 =	vld [tilespmem:$0x260];
	_ =	sdelay $0x4  }
0x1d3: {  	v38 =	vshll.u32 v3, $0x1  }
0x1d4: {  	v3 =	vand.u32 $0x7, v3;
	v4 =	vand.u32 $0xFFFFFFF0, v38  }
0x1d5: {  	v3 =	vor.u32 v3, v4  }
0x1d6: {  	v4 =	vperm.xlane v3, v0;
	_ =	sdelay $0x1  }
0x1d7: {  	v3 =	vperm.xlane v3, v2;
	v4 =	vadd.s32 v1, v4;
	_ =	sdelay $0x1  }
0x1d8: {  	v3 =	vadd.s32 v1, v3;
	_ =	sdelay $0x2  }
0x1d9: {  	[tilespmem:s17], [sflag:$0x1] =	stream.indirect_vreg.gather [hbm4b:s1+s3], $0x80, v4, vm0, $0xb8;
	[tilespmem:$0x10400] =	vst v63  }
0x1da: {  	_ = 	snop  }
0x1db: {  	[tilespmem:s10], [sflag:$0x1] =	stream.indirect_vreg.gather [hbm4b:s1+s3], $0x80, v3, vm0, $0xb8;
	[tilespmem:$0x10400] =	vst v63  }
0x1dc: {  	v3 =	vld [tilespmem:$0x270];
	_ =	sdelay $0x4  }
0x1dd: {  	v39 =	vshll.u32 v3, $0x1  }
0x1de: {  	v3 =	vand.u32 $0x7, v3;
	v4 =	vand.u32 $0xFFFFFFF0, v39  }
0x1df: {  	v3 =	vor.u32 v3, v4  }
0x1e0: {  	v4 =	vperm.xlane v3, v0;
	_ =	sdelay $0x1  }
0x1e1: {  	v3 =	vperm.xlane v3, v2;
	v4 =	vadd.s32 v1, v4;
	_ =	sdelay $0x1  }
0x1e2: {  	v3 =	vadd.s32 v1, v3;
	_ =	sdelay $0x2  }
0x1e3: {  	[tilespmem:s7], [sflag:$0x1] =	stream.indirect_vreg.gather [hbm4b:s1+s3], $0x80, v4, vm0, $0xb8;
	[tilespmem:$0x10400] =	vst v63  }
0x1e4: {  	_ = 	snop  }
0x1e5: {  	[tilespmem:s11], [sflag:$0x1] =	stream.indirect_vreg.gather [hbm4b:s1+s3], $0x80, v3, vm0, $0xb8;
	[tilespmem:$0x10400] =	vst v63  }
0x1e6: {  	_ =	swait.ge [sflag:s22], $0x8000  }
0x1e7: {  	[sflag:s22] =	ssyncset.done $0x0  }
0x1e8: {  	s21 =	rddreg [dreg:$0xb];
	[sflag:s22] =	ssyncadd.s32 $0xFFFF8000  }
0x1e9: {  	[hbm4b:s21+s3] =	stream.linear.scatter [tilespmem:s26], [sflag:$0x3], $0x8000, $0x38;
	[tilespmem:$0x10400] =	vst v63  }
0x1ea: {  	_ =	swait.ge [sflag:s15], $0x8000  }
0x1eb: {  	[sflag:s15] =	ssyncset.done $0x0  }
0x1ec: {  	[sflag:s15] =	ssyncadd.s32 $0xFFFF8000  }
0x1ed: {  	v3 =	vld [tilespmem:$0x280];
	_ =	sdelay $0x4  }
0x1ee: {  	v40 =	vshll.u32 v3, $0x1  }
0x1ef: {  	v3 =	vand.u32 $0x7, v3;
	v4 =	vand.u32 $0xFFFFFFF0, v40  }
0x1f0: {  	v3 =	vor.u32 v3, v4  }
0x1f1: {  	v4 =	vperm.xlane v3, v0;
	_ =	sdelay $0x1  }
0x1f2: {  	v3 =	vperm.xlane v3, v2;
	v4 =	vadd.s32 v1, v4;
	_ =	sdelay $0x1  }
0x1f3: {  	v3 =	vadd.s32 v1, v3;
	_ =	sdelay $0x2  }
0x1f4: {  	[tilespmem:s23], [sflag:$0x2] =	stream.indirect_vreg.gather [hbm4b:s1+s3], $0x80, v4, vm0, $0xb8;
	[tilespmem:$0x10400] =	vst v63  }
0x1f5: {  	s31 =	simm.s32 $0x8C00  }
0x1f6: {  	[tilespmem:s31], [sflag:$0x2] =	stream.indirect_vreg.gather [hbm4b:s1+s3], $0x80, v3, vm0, $0xb8;
	[tilespmem:$0x10400] =	vst v63  }
0x1f7: {  	v3 =	vld [tilespmem:$0x290];
	_ =	sdelay $0x4  }
0x1f8: {  	v41 =	vshll.u32 v3, $0x1  }
0x1f9: {  	v3 =	vand.u32 $0x7, v3;
	v4 =	vand.u32 $0xFFFFFFF0, v41  }
0x1fa: {  	v3 =	vor.u32 v3, v4  }
0x1fb: {  	v4 =	vperm.xlane v3, v0;
	_ =	sdelay $0x1  }
0x1fc: {  	v3 =	vperm.xlane v3, v2;
	v4 =	vadd.s32 v1, v4;
	_ =	sdelay $0x1  }
0x1fd: {  	v3 =	vadd.s32 v1, v3;
	_ =	sdelay $0x2  }
0x1fe: {  	[tilespmem:s0], [sflag:$0x2] =	stream.indirect_vreg.gather [hbm4b:s1+s3], $0x80, v4, vm0, $0xb8;
	[tilespmem:$0x10400] =	vst v63  }
0x1ff: {  	_ = 	snop  }
0x200: {  	[tilespmem:s5], [sflag:$0x2] =	stream.indirect_vreg.gather [hbm4b:s1+s3], $0x80, v3, vm0, $0xb8;
	[tilespmem:$0x10400] =	vst v63  }
0x201: {  	v3 =	vld [tilespmem:$0x2A0];
	_ =	sdelay $0x4  }
0x202: {  	v42 =	vshll.u32 v3, $0x1  }
0x203: {  	v3 =	vand.u32 $0x7, v3;
	v4 =	vand.u32 $0xFFFFFFF0, v42  }
0x204: {  	v3 =	vor.u32 v3, v4  }
0x205: {  	v4 =	vperm.xlane v3, v0;
	_ =	sdelay $0x1  }
0x206: {  	v3 =	vperm.xlane v3, v2;
	v4 =	vadd.s32 v1, v4;
	_ =	sdelay $0x1  }
0x207: {  	v3 =	vadd.s32 v1, v3;
	_ =	sdelay $0x2  }
0x208: {  	[tilespmem:s2], [sflag:$0x2] =	stream.indirect_vreg.gather [hbm4b:s1+s3], $0x80, v4, vm0, $0xb8;
	[tilespmem:$0x10400] =	vst v63  }
0x209: {  	_ = 	snop  }
0x20a: {  	[tilespmem:s6], [sflag:$0x2] =	stream.indirect_vreg.gather [hbm4b:s1+s3], $0x80, v3, vm0, $0xb8;
	[tilespmem:$0x10400] =	vst v63  }
0x20b: {  	v3 =	vld [tilespmem:$0x2B0];
	_ =	sdelay $0x4  }
0x20c: {  	v43 =	vshll.u32 v3, $0x1  }
0x20d: {  	v3 =	vand.u32 $0x7, v3;
	v4 =	vand.u32 $0xFFFFFFF0, v43  }
0x20e: {  	v3 =	vor.u32 v3, v4  }
0x20f: {  	v4 =	vperm.xlane v3, v0;
	_ =	sdelay $0x1  }
0x210: {  	v3 =	vperm.xlane v3, v2;
	v4 =	vadd.s32 v1, v4;
	_ =	sdelay $0x1  }
0x211: {  	v3 =	vadd.s32 v1, v3;
	_ =	sdelay $0x1  }
0x212: {  	s28 =	simm.s32 $0xB400  }
0x213: {  	[tilespmem:s28], [sflag:$0x2] =	stream.indirect_vreg.gather [hbm4b:s1+s3], $0x80, v4, vm0, $0xb8;
	[tilespmem:$0x10400] =	vst v63  }
0x214: {  	s29 =	simm.s32 $0xBC00  }
0x215: {  	[tilespmem:s29], [sflag:$0x2] =	stream.indirect_vreg.gather [hbm4b:s1+s3], $0x80, v3, vm0, $0xb8;
	[tilespmem:$0x10400] =	vst v63  }
0x216: {  	v3 =	vld [tilespmem:$0x2C0];
	_ =	sdelay $0x4  }
0x217: {  	v44 =	vshll.u32 v3, $0x1  }
0x218: {  	v3 =	vand.u32 $0x7, v3;
	v4 =	vand.u32 $0xFFFFFFF0, v44  }
0x219: {  	v3 =	vor.u32 v3, v4  }
0x21a: {  	v4 =	vperm.xlane v3, v0;
	_ =	sdelay $0x1  }
0x21b: {  	v3 =	vperm.xlane v3, v2;
	v4 =	vadd.s32 v1, v4;
	_ =	sdelay $0x1  }
0x21c: {  	v3 =	vadd.s32 v1, v3;
	_ =	sdelay $0x1  }
0x21d: {  	s20 =	simm.s32 $0xC400  }
0x21e: {  	[tilespmem:s20], [sflag:$0x2] =	stream.indirect_vreg.gather [hbm4b:s1+s3], $0x80, v4, vm0, $0xb8;
	[tilespmem:$0x10400] =	vst v63  }
0x21f: {  	s30 =	simm.s32 $0xCC00  }
0x220: {  	[tilespmem:s30], [sflag:$0x2] =	stream.indirect_vreg.gather [hbm4b:s1+s3], $0x80, v3, vm0, $0xb8;
	[tilespmem:$0x10400] =	vst v63  }
0x221: {  	v3 =	vld [tilespmem:$0x2D0];
	_ =	sdelay $0x4  }
0x222: {  	v45 =	vshll.u32 v3, $0x1  }
0x223: {  	v3 =	vand.u32 $0x7, v3;
	v4 =	vand.u32 $0xFFFFFFF0, v45  }
0x224: {  	v3 =	vor.u32 v3, v4  }
0x225: {  	v4 =	vperm.xlane v3, v0;
	_ =	sdelay $0x1  }
0x226: {  	v3 =	vperm.xlane v3, v2;
	v4 =	vadd.s32 v1, v4;
	_ =	sdelay $0x1  }
0x227: {  	v3 =	vadd.s32 v1, v3;
	_ =	sdelay $0x1  }
0x228: {  	s24 =	simm.s32 $0xD400  }
0x229: {  	[tilespmem:s24], [sflag:$0x2] =	stream.indirect_vreg.gather [hbm4b:s1+s3], $0x80, v4, vm0, $0xb8;
	[tilespmem:$0x10400] =	vst v63  }
0x22a: {  	s24 =	simm.s32 $0xDC00  }
0x22b: {  	[tilespmem:s24], [sflag:$0x2] =	stream.indirect_vreg.gather [hbm4b:s1+s3], $0x80, v3, vm0, $0xb8;
	[tilespmem:$0x10400] =	vst v63  }
0x22c: {  	v3 =	vld [tilespmem:$0x2E0];
	_ =	sdelay $0x4  }
0x22d: {  	v46 =	vshll.u32 v3, $0x1  }
0x22e: {  	v3 =	vand.u32 $0x7, v3;
	v4 =	vand.u32 $0xFFFFFFF0, v46  }
0x22f: {  	v3 =	vor.u32 v3, v4  }
0x230: {  	v4 =	vperm.xlane v3, v0;
	_ =	sdelay $0x1  }
0x231: {  	v3 =	vperm.xlane v3, v2;
	v4 =	vadd.s32 v1, v4;
	_ =	sdelay $0x1  }
0x232: {  	v3 =	vadd.s32 v1, v3;
	_ =	sdelay $0x1  }
0x233: {  	s25 =	simm.s32 $0xE400  }
0x234: {  	[tilespmem:s25], [sflag:$0x2] =	stream.indirect_vreg.gather [hbm4b:s1+s3], $0x80, v4, vm0, $0xb8;
	[tilespmem:$0x10400] =	vst v63  }
0x235: {  	s25 =	simm.s32 $0xEC00  }
0x236: {  	[tilespmem:s25], [sflag:$0x2] =	stream.indirect_vreg.gather [hbm4b:s1+s3], $0x80, v3, vm0, $0xb8;
	[tilespmem:$0x10400] =	vst v63  }
0x237: {  	v3 =	vld [tilespmem:$0x2F0];
	_ =	sdelay $0x4  }
0x238: {  	v47 =	vshll.u32 v3, $0x1  }
0x239: {  	v3 =	vand.u32 $0x7, v3;
	v4 =	vand.u32 $0xFFFFFFF0, v47  }
0x23a: {  	v3 =	vor.u32 v3, v4  }
0x23b: {  	v4 =	vperm.xlane v3, v0;
	_ =	sdelay $0x1  }
0x23c: {  	v3 =	vperm.xlane v3, v2;
	v4 =	vadd.s32 v1, v4;
	_ =	sdelay $0x1  }
0x23d: {  	v3 =	vadd.s32 v1, v3;
	_ =	sdelay $0x1  }
0x23e: {  	s18 =	simm.s32 $0xF400  }
0x23f: {  	[tilespmem:s18], [sflag:$0x2] =	stream.indirect_vreg.gather [hbm4b:s1+s3], $0x80, v4, vm0, $0xb8;
	[tilespmem:$0x10400] =	vst v63  }
0x240: {  	s18 =	simm.s32 $0xFC00  }
0x241: {  	[tilespmem:s18], [sflag:$0x2] =	stream.indirect_vreg.gather [hbm4b:s1+s3], $0x80, v3, vm0, $0xb8;
	[tilespmem:$0x10400] =	vst v63  }
0x242: {  	_ =	swait.ge [sflag:s13], $0x8000  }
0x243: {  	[sflag:s13] =	ssyncset.done $0x0  }
0x244: {  	s16 =	rddreg [dreg:$0xc];
	[sflag:s13] =	ssyncadd.s32 $0xFFFF8000  }
0x245: {  	[hbm4b:s16+s3] =	stream.linear.scatter [tilespmem:s23], [sflag:$0x4], $0x8000, $0x38;
	[tilespmem:$0x10400] =	vst v63  }
0x246: {  	_ =	swait.ge [sflag:s14], $0x8000  }
0x247: {  	[sflag:s14] =	ssyncset.done $0x0  }
0x248: {  	[sflag:s14] =	ssyncadd.s32 $0xFFFF8000  }
0x249: {  	v3 =	vld [tilespmem:$0x300];
	_ =	sdelay $0x4  }
0x24a: {  	v48 =	vshll.u32 v3, $0x1  }
0x24b: {  	v3 =	vand.u32 $0x7, v3;
	v4 =	vand.u32 $0xFFFFFFF0, v48  }
0x24c: {  	v3 =	vor.u32 v3, v4  }
0x24d: {  	v4 =	vperm.xlane v3, v0;
	_ =	sdelay $0x1  }
0x24e: {  	v3 =	vperm.xlane v3, v2;
	v4 =	vadd.s32 v1, v4;
	_ =	sdelay $0x1  }
0x24f: {  	v3 =	vadd.s32 v1, v3;
	_ =	sdelay $0x2  }
0x250: {  	[tilespmem:s26], [sflag:$0x1] =	stream.indirect_vreg.gather [hbm4b:s1+s3], $0x80, v4, vm0, $0xb8;
	[tilespmem:$0x10400] =	vst v63  }
0x251: {  	s8 =	simm.s32 $0xC00  }
0x252: {  	[tilespmem:s8], [sflag:$0x1] =	stream.indirect_vreg.gather [hbm4b:s1+s3], $0x80, v3, vm0, $0xb8;
	[tilespmem:$0x10400] =	vst v63  }
0x253: {  	v3 =	vld [tilespmem:$0x310];
	_ =	sdelay $0x4  }
0x254: {  	v49 =	vshll.u32 v3, $0x1  }
0x255: {  	v3 =	vand.u32 $0x7, v3;
	v4 =	vand.u32 $0xFFFFFFF0, v49  }
0x256: {  	v3 =	vor.u32 v3, v4  }
0x257: {  	v4 =	vperm.xlane v3, v0;
	_ =	sdelay $0x1  }
0x258: {  	v3 =	vperm.xlane v3, v2;
	v4 =	vadd.s32 v1, v4;
	_ =	sdelay $0x1  }
0x259: {  	v3 =	vadd.s32 v1, v3;
	_ =	sdelay $0x1  }
0x25a: {  	s16 =	simm.s32 $0x1400  }
0x25b: {  	[tilespmem:s16], [sflag:$0x1] =	stream.indirect_vreg.gather [hbm4b:s1+s3], $0x80, v4, vm0, $0xb8;
	[tilespmem:$0x10400] =	vst v63  }
0x25c: {  	s19 =	simm.s32 $0x1C00  }
0x25d: {  	[tilespmem:s19], [sflag:$0x1] =	stream.indirect_vreg.gather [hbm4b:s1+s3], $0x80, v3, vm0, $0xb8;
	[tilespmem:$0x10400] =	vst v63  }
0x25e: {  	v3 =	vld [tilespmem:$0x320];
	_ =	sdelay $0x4  }
0x25f: {  	v50 =	vshll.u32 v3, $0x1  }
0x260: {  	v3 =	vand.u32 $0x7, v3;
	v4 =	vand.u32 $0xFFFFFFF0, v50  }
0x261: {  	v3 =	vor.u32 v3, v4  }
0x262: {  	v4 =	vperm.xlane v3, v0;
	_ =	sdelay $0x1  }
0x263: {  	v3 =	vperm.xlane v3, v2;
	v4 =	vadd.s32 v1, v4;
	_ =	sdelay $0x1  }
0x264: {  	v3 =	vadd.s32 v1, v3;
	_ =	sdelay $0x1  }
0x265: {  	s16 =	simm.s32 $0x2400  }
0x266: {  	[tilespmem:s16], [sflag:$0x1] =	stream.indirect_vreg.gather [hbm4b:s1+s3], $0x80, v4, vm0, $0xb8;
	[tilespmem:$0x10400] =	vst v63  }
0x267: {  	s19 =	simm.s32 $0x2C00  }
0x268: {  	[tilespmem:s19], [sflag:$0x1] =	stream.indirect_vreg.gather [hbm4b:s1+s3], $0x80, v3, vm0, $0xb8;
	[tilespmem:$0x10400] =	vst v63  }
0x269: {  	v3 =	vld [tilespmem:$0x330];
	_ =	sdelay $0x4  }
0x26a: {  	v51 =	vshll.u32 v3, $0x1  }
0x26b: {  	v3 =	vand.u32 $0x7, v3;
	v4 =	vand.u32 $0xFFFFFFF0, v51  }
0x26c: {  	v3 =	vor.u32 v3, v4  }
0x26d: {  	v4 =	vperm.xlane v3, v0;
	_ =	sdelay $0x1  }
0x26e: {  	v3 =	vperm.xlane v3, v2;
	v4 =	vadd.s32 v1, v4;
	_ =	sdelay $0x1  }
0x26f: {  	v3 =	vadd.s32 v1, v3;
	_ =	sdelay $0x1  }
0x270: {  	s16 =	simm.s32 $0x3400  }
0x271: {  	[tilespmem:s16], [sflag:$0x1] =	stream.indirect_vreg.gather [hbm4b:s1+s3], $0x80, v4, vm0, $0xb8;
	[tilespmem:$0x10400] =	vst v63  }
0x272: {  	s19 =	simm.s32 $0x3C00  }
0x273: {  	[tilespmem:s19], [sflag:$0x1] =	stream.indirect_vreg.gather [hbm4b:s1+s3], $0x80, v3, vm0, $0xb8;
	[tilespmem:$0x10400] =	vst v63  }
0x274: {  	v3 =	vld [tilespmem:$0x340];
	_ =	sdelay $0x4  }
0x275: {  	v52 =	vshll.u32 v3, $0x1  }
0x276: {  	v3 =	vand.u32 $0x7, v3;
	v4 =	vand.u32 $0xFFFFFFF0, v52  }
0x277: {  	v3 =	vor.u32 v3, v4  }
0x278: {  	v4 =	vperm.xlane v3, v0;
	_ =	sdelay $0x1  }
0x279: {  	v3 =	vperm.xlane v3, v2;
	v4 =	vadd.s32 v1, v4;
	_ =	sdelay $0x1  }
0x27a: {  	v3 =	vadd.s32 v1, v3;
	_ =	sdelay $0x1  }
0x27b: {  	s9 =	simm.s32 $0x4400  }
0x27c: {  	[tilespmem:s9], [sflag:$0x1] =	stream.indirect_vreg.gather [hbm4b:s1+s3], $0x80, v4, vm0, $0xb8;
	[tilespmem:$0x10400] =	vst v63  }
0x27d: {  	s12 =	simm.s32 $0x4C00  }
0x27e: {  	[tilespmem:s12], [sflag:$0x1] =	stream.indirect_vreg.gather [hbm4b:s1+s3], $0x80, v3, vm0, $0xb8;
	[tilespmem:$0x10400] =	vst v63  }
0x27f: {  	v3 =	vld [tilespmem:$0x350];
	_ =	sdelay $0x4  }
0x280: {  	v53 =	vshll.u32 v3, $0x1  }
0x281: {  	v3 =	vand.u32 $0x7, v3;
	v4 =	vand.u32 $0xFFFFFFF0, v53  }
0x282: {  	v3 =	vor.u32 v3, v4  }
0x283: {  	v4 =	vperm.xlane v3, v0;
	_ =	sdelay $0x1  }
0x284: {  	v3 =	vperm.xlane v3, v2;
	v4 =	vadd.s32 v1, v4;
	_ =	sdelay $0x1  }
0x285: {  	v3 =	vadd.s32 v1, v3;
	_ =	sdelay $0x1  }
0x286: {  	s12 =	simm.s32 $0x5400  }
0x287: {  	[tilespmem:s12], [sflag:$0x1] =	stream.indirect_vreg.gather [hbm4b:s1+s3], $0x80, v4, vm0, $0xb8;
	[tilespmem:$0x10400] =	vst v63  }
0x288: {  	s16 =	simm.s32 $0x5C00  }
0x289: {  	[tilespmem:s16], [sflag:$0x1] =	stream.indirect_vreg.gather [hbm4b:s1+s3], $0x80, v3, vm0, $0xb8;
	[tilespmem:$0x10400] =	vst v63  }
0x28a: {  	v3 =	vld [tilespmem:$0x360];
	_ =	sdelay $0x4  }
0x28b: {  	v54 =	vshll.u32 v3, $0x1  }
0x28c: {  	v3 =	vand.u32 $0x7, v3;
	v4 =	vand.u32 $0xFFFFFFF0, v54  }
0x28d: {  	v3 =	vor.u32 v3, v4  }
0x28e: {  	v4 =	vperm.xlane v3, v0;
	_ =	sdelay $0x1  }
0x28f: {  	v3 =	vperm.xlane v3, v2;
	v4 =	vadd.s32 v1, v4;
	_ =	sdelay $0x1  }
0x290: {  	v3 =	vadd.s32 v1, v3;
	_ =	sdelay $0x1  }
0x291: {  	s17 =	simm.s32 $0x6400  }
0x292: {  	[tilespmem:s17], [sflag:$0x1] =	stream.indirect_vreg.gather [hbm4b:s1+s3], $0x80, v4, vm0, $0xb8;
	[tilespmem:$0x10400] =	vst v63  }
0x293: {  	s10 =	simm.s32 $0x6C00  }
0x294: {  	[tilespmem:s10], [sflag:$0x1] =	stream.indirect_vreg.gather [hbm4b:s1+s3], $0x80, v3, vm0, $0xb8;
	[tilespmem:$0x10400] =	vst v63  }
0x295: {  	v3 =	vld [tilespmem:$0x370];
	_ =	sdelay $0x4  }
0x296: {  	v55 =	vshll.u32 v3, $0x1  }
0x297: {  	v3 =	vand.u32 $0x7, v3;
	v4 =	vand.u32 $0xFFFFFFF0, v55  }
0x298: {  	v3 =	vor.u32 v3, v4  }
0x299: {  	v4 =	vperm.xlane v3, v0;
	_ =	sdelay $0x1  }
0x29a: {  	v3 =	vperm.xlane v3, v2;
	v4 =	vadd.s32 v1, v4;
	_ =	sdelay $0x1  }
0x29b: {  	v3 =	vadd.s32 v1, v3;
	_ =	sdelay $0x1  }
0x29c: {  	s7 =	simm.s32 $0x7400  }
0x29d: {  	[tilespmem:s7], [sflag:$0x1] =	stream.indirect_vreg.gather [hbm4b:s1+s3], $0x80, v4, vm0, $0xb8;
	[tilespmem:$0x10400] =	vst v63  }
0x29e: {  	s11 =	simm.s32 $0x7C00  }
0x29f: {  	[tilespmem:s11], [sflag:$0x1] =	stream.indirect_vreg.gather [hbm4b:s1+s3], $0x80, v3, vm0, $0xb8;
	[tilespmem:$0x10400] =	vst v63  }
0x2a0: {  	_ =	swait.ge [sflag:s22], $0x8000  }
0x2a1: {  	[sflag:s22] =	ssyncset.done $0x0  }
0x2a2: {  	s17 =	rddreg [dreg:$0xd];
	[sflag:s22] =	ssyncadd.s32 $0xFFFF8000  }
0x2a3: {  	[hbm4b:s17+s3] =	stream.linear.scatter [tilespmem:s26], [sflag:$0x3], $0x8000, $0x38;
	[tilespmem:$0x10400] =	vst v63  }
0x2a4: {  	_ =	swait.ge [sflag:s15], $0x8000  }
0x2a5: {  	[sflag:s15] =	ssyncset.done $0x0  }
0x2a6: {  	[sflag:s15] =	ssyncadd.s32 $0xFFFF8000  }
0x2a7: {  	v3 =	vld [tilespmem:$0x380];
	_ =	sdelay $0x4  }
0x2a8: {  	v56 =	vshll.u32 v3, $0x1  }
0x2a9: {  	v3 =	vand.u32 $0x7, v3;
	v4 =	vand.u32 $0xFFFFFFF0, v56  }
0x2aa: {  	v3 =	vor.u32 v3, v4  }
0x2ab: {  	v4 =	vperm.xlane v3, v0;
	_ =	sdelay $0x1  }
0x2ac: {  	v3 =	vperm.xlane v3, v2;
	v4 =	vadd.s32 v1, v4;
	_ =	sdelay $0x1  }
0x2ad: {  	v3 =	vadd.s32 v1, v3;
	_ =	sdelay $0x2  }
0x2ae: {  	[tilespmem:s23], [sflag:$0x2] =	stream.indirect_vreg.gather [hbm4b:s1+s3], $0x80, v4, vm0, $0xb8;
	[tilespmem:$0x10400] =	vst v63  }
0x2af: {  	s19 =	simm.s32 $0x8C00  }
0x2b0: {  	[tilespmem:s19], [sflag:$0x2] =	stream.indirect_vreg.gather [hbm4b:s1+s3], $0x80, v3, vm0, $0xb8;
	[tilespmem:$0x10400] =	vst v63  }
0x2b1: {  	v3 =	vld [tilespmem:$0x390];
	_ =	sdelay $0x4  }
0x2b2: {  	v57 =	vshll.u32 v3, $0x1  }
0x2b3: {  	v3 =	vand.u32 $0x7, v3;
	v4 =	vand.u32 $0xFFFFFFF0, v57  }
0x2b4: {  	v3 =	vor.u32 v3, v4  }
0x2b5: {  	v4 =	vperm.xlane v3, v0;
	_ =	sdelay $0x1  }
0x2b6: {  	v3 =	vperm.xlane v3, v2;
	v4 =	vadd.s32 v1, v4;
	_ =	sdelay $0x1  }
0x2b7: {  	v3 =	vadd.s32 v1, v3;
	_ =	sdelay $0x1  }
0x2b8: {  	s0 =	simm.s32 $0x9400  }
0x2b9: {  	[tilespmem:s0], [sflag:$0x2] =	stream.indirect_vreg.gather [hbm4b:s1+s3], $0x80, v4, vm0, $0xb8;
	[tilespmem:$0x10400] =	vst v63  }
0x2ba: {  	s5 =	simm.s32 $0x9C00  }
0x2bb: {  	[tilespmem:s5], [sflag:$0x2] =	stream.indirect_vreg.gather [hbm4b:s1+s3], $0x80, v3, vm0, $0xb8;
	[tilespmem:$0x10400] =	vst v63  }
0x2bc: {  	v3 =	vld [tilespmem:$0x3A0];
	_ =	sdelay $0x4  }
0x2bd: {  	v58 =	vshll.u32 v3, $0x1  }
0x2be: {  	v3 =	vand.u32 $0x7, v3;
	v4 =	vand.u32 $0xFFFFFFF0, v58  }
0x2bf: {  	v3 =	vor.u32 v3, v4  }
0x2c0: {  	v4 =	vperm.xlane v3, v0;
	_ =	sdelay $0x1  }
0x2c1: {  	v3 =	vperm.xlane v3, v2;
	v4 =	vadd.s32 v1, v4;
	_ =	sdelay $0x1  }
0x2c2: {  	v3 =	vadd.s32 v1, v3;
	_ =	sdelay $0x1  }
0x2c3: {  	s2 =	simm.s32 $0xA400  }
0x2c4: {  	[tilespmem:s2], [sflag:$0x2] =	stream.indirect_vreg.gather [hbm4b:s1+s3], $0x80, v4, vm0, $0xb8;
	[tilespmem:$0x10400] =	vst v63  }
0x2c5: {  	s6 =	simm.s32 $0xAC00  }
0x2c6: {  	[tilespmem:s6], [sflag:$0x2] =	stream.indirect_vreg.gather [hbm4b:s1+s3], $0x80, v3, vm0, $0xb8;
	[tilespmem:$0x10400] =	vst v63  }
0x2c7: {  	v3 =	vld [tilespmem:$0x3B0];
	_ =	sdelay $0x4  }
0x2c8: {  	v59 =	vshll.u32 v3, $0x1  }
0x2c9: {  	v3 =	vand.u32 $0x7, v3;
	v4 =	vand.u32 $0xFFFFFFF0, v59  }
0x2ca: {  	v3 =	vor.u32 v3, v4  }
0x2cb: {  	v4 =	vperm.xlane v3, v0;
	_ =	sdelay $0x1  }
0x2cc: {  	v3 =	vperm.xlane v3, v2;
	v4 =	vadd.s32 v1, v4;
	_ =	sdelay $0x1  }
0x2cd: {  	v3 =	vadd.s32 v1, v3;
	_ =	sdelay $0x1  }
0x2ce: {  	s31 =	simm.s32 $0xB400  }
0x2cf: {  	[tilespmem:s31], [sflag:$0x2] =	stream.indirect_vreg.gather [hbm4b:s1+s3], $0x80, v4, vm0, $0xb8;
	[tilespmem:$0x10400] =	vst v63  }
0x2d0: {  	s28 =	simm.s32 $0xBC00  }
0x2d1: {  	[tilespmem:s28], [sflag:$0x2] =	stream.indirect_vreg.gather [hbm4b:s1+s3], $0x80, v3, vm0, $0xb8;
	[tilespmem:$0x10400] =	vst v63  }
0x2d2: {  	v3 =	vld [tilespmem:$0x3C0];
	_ =	sdelay $0x4  }
0x2d3: {  	v60 =	vshll.u32 v3, $0x1  }
0x2d4: {  	v3 =	vand.u32 $0x7, v3;
	v4 =	vand.u32 $0xFFFFFFF0, v60  }
0x2d5: {  	v3 =	vor.u32 v3, v4  }
0x2d6: {  	v4 =	vperm.xlane v3, v0;
	_ =	sdelay $0x1  }
0x2d7: {  	v3 =	vperm.xlane v3, v2;
	v4 =	vadd.s32 v1, v4;
	_ =	sdelay $0x1  }
0x2d8: {  	v3 =	vadd.s32 v1, v3;
	_ =	sdelay $0x1  }
0x2d9: {  	s21 =	simm.s32 $0xC400  }
0x2da: {  	[tilespmem:s21], [sflag:$0x2] =	stream.indirect_vreg.gather [hbm4b:s1+s3], $0x80, v4, vm0, $0xb8;
	[tilespmem:$0x10400] =	vst v63  }
0x2db: {  	s29 =	simm.s32 $0xCC00  }
0x2dc: {  	[tilespmem:s29], [sflag:$0x2] =	stream.indirect_vreg.gather [hbm4b:s1+s3], $0x80, v3, vm0, $0xb8;
	[tilespmem:$0x10400] =	vst v63  }
0x2dd: {  	v3 =	vld [tilespmem:$0x3D0];
	_ =	sdelay $0x4  }
0x2de: {  	v61 =	vshll.u32 v3, $0x1  }
0x2df: {  	v3 =	vand.u32 $0x7, v3;
	v4 =	vand.u32 $0xFFFFFFF0, v61  }
0x2e0: {  	v3 =	vor.u32 v3, v4  }
0x2e1: {  	v4 =	vperm.xlane v3, v0;
	_ =	sdelay $0x1  }
0x2e2: {  	v3 =	vperm.xlane v3, v2;
	v4 =	vadd.s32 v1, v4;
	_ =	sdelay $0x1  }
0x2e3: {  	v3 =	vadd.s32 v1, v3;
	_ =	sdelay $0x1  }
0x2e4: {  	s20 =	simm.s32 $0xD400  }
0x2e5: {  	[tilespmem:s20], [sflag:$0x2] =	stream.indirect_vreg.gather [hbm4b:s1+s3], $0x80, v4, vm0, $0xb8;
	[tilespmem:$0x10400] =	vst v63  }
0x2e6: {  	s30 =	simm.s32 $0xDC00  }
0x2e7: {  	[tilespmem:s30], [sflag:$0x2] =	stream.indirect_vreg.gather [hbm4b:s1+s3], $0x80, v3, vm0, $0xb8;
	[tilespmem:$0x10400] =	vst v63  }
0x2e8: {  	v3 =	vld [tilespmem:$0x3E0];
	_ =	sdelay $0x4  }
0x2e9: {  	v62 =	vshll.u32 v3, $0x1  }
0x2ea: {  	v3 =	vand.u32 $0x7, v3;
	v4 =	vand.u32 $0xFFFFFFF0, v62  }
0x2eb: {  	v3 =	vor.u32 v3, v4  }
0x2ec: {  	v4 =	vperm.xlane v3, v0;
	_ =	sdelay $0x1  }
0x2ed: {  	v3 =	vperm.xlane v3, v2;
	v4 =	vadd.s32 v1, v4;
	_ =	sdelay $0x1  }
0x2ee: {  	v3 =	vadd.s32 v1, v3;
	_ =	sdelay $0x1  }
0x2ef: {  	s24 =	simm.s32 $0xE400  }
0x2f0: {  	[tilespmem:s24], [sflag:$0x2] =	stream.indirect_vreg.gather [hbm4b:s1+s3], $0x80, v4, vm0, $0xb8;
	[tilespmem:$0x10400] =	vst v63  }
0x2f1: {  	s30 =	simm.s32 $0xEC00  }
0x2f2: {  	[tilespmem:s30], [sflag:$0x2] =	stream.indirect_vreg.gather [hbm4b:s1+s3], $0x80, v3, vm0, $0xb8;
	[tilespmem:$0x10400] =	vst v63  }
0x2f3: {  	v3 =	vld [tilespmem:$0x3F0];
	_ =	sdelay $0x4  }
0x2f4: {  	v63 =	vshll.u32 v3, $0x1  }
0x2f5: {  	v3 =	vand.u32 $0x7, v3;
	v4 =	vand.u32 $0xFFFFFFF0, v63  }
0x2f6: {  	v3 =	vor.u32 v3, v4  }
0x2f7: {  	v4 =	vperm.xlane v3, v0;
	_ =	sdelay $0x1  }
0x2f8: {  	v3 =	vperm.xlane v3, v2;
	v4 =	vadd.s32 v1, v4;
	_ =	sdelay $0x1  }
0x2f9: {  	v3 =	vadd.s32 v1, v3;
	_ =	sdelay $0x1  }
0x2fa: {  	s25 =	simm.s32 $0xF400  }
0x2fb: {  	[tilespmem:s25], [sflag:$0x2] =	stream.indirect_vreg.gather [hbm4b:s1+s3], $0x80, v4, vm0, $0xb8;
	[tilespmem:$0x10400] =	vst v63  }
0x2fc: {  	s18 =	simm.s32 $0xFC00  }
0x2fd: {  	[tilespmem:s18], [sflag:$0x2] =	stream.indirect_vreg.gather [hbm4b:s1+s3], $0x80, v3, vm0, $0xb8;
	[tilespmem:$0x10400] =	vst v63  }
0x2fe: {  	_ =	swait.ge [sflag:s13], $0x8000  }
0x2ff: {  	[sflag:s13] =	ssyncset.done $0x0  }
0x300: {  	s31 =	rddreg [dreg:$0xe];
	[sflag:s13] =	ssyncadd.s32 $0xFFFF8000  }
0x301: {  	[hbm4b:s31+s3] =	stream.linear.scatter [tilespmem:s23], [sflag:$0x4], $0x8000, $0x38;
	[tilespmem:$0x10400] =	vst v63  }
0x302: {  	p0 =	sne.s32 s4, $0x1;
	_ =	swait.ge [sflag:s14], $0x8000  }
.Ltmp0:
0x303: {  	[sflag:s14] =	ssyncset.done $0x0;
	(pc) =	sbr.rel @p0 .LBB2_1-.Ltmp0, $4  }
0x304: {  	[sflag:s14] =	ssyncadd.s32 $0xFFFF8000  }
0x305: {  	_ =	swait.ge [sflag:s15], $0x8000  }
0x306: {  	[sflag:s15] =	ssyncset.done $0x0  }
0x307: {  	s4 =	sadd.s32 $0xFFFFFFFF, s4;
	[sflag:s15] =	ssyncadd.s32 $0xFFFF8000  }
0x308: {  	_ =	sfence.sel $0x180000  }
0x309: {  	[bflag:$0x0] =	sbarrier.arrive $0xFFFF  }
0x30a: {  	_ =	strace $0x9000004A  }
0x30b: {  	s0 =	stileid.u32;
	[bflag:$0x2] =	sbarrier.arrive $0xFFFF  }
0x30c: {  	p0 =	sne.s32 s0, $0x0;
	s0 =	rddreg [dreg:$0x4]  }
0x30d: {  	s0 =	sadd.s32 @!p0 $0x100000, s0  }
0x30e: {  	[sflag:s0] =	ssyncadd.tile.s32 @!p0 $0x1;
	_ =	shalt  }
.Lfunc_end2:
_tile_overlayer_lowered:
.L_overlay_start_2:
0x30f: {  	(tag) =	ssettag $0x2  }
0x310: {  	s0 =	rddreg [dreg:$0x0];
	s2 =	stileid.u32  }
0x311: {  	s1 =	rddreg [dreg:$0x1];
	p0 =	sne.s32 s2, $0x0  }
0x312: {  	s3 =	rddreg [dreg:$0x2];
	[bflag:$0x3] =	sbarrier.arrive $0xFFFF;
	s2 =	simm.s32 @!p0 $0x1C05  }
0x313: {  	[timem:s3], [sflag:s2] =	dma.local @!p0 [hbm:s0], s1  }
0x314: {  	s0 =	simm.s32 @!p0 $0x5  }
0x315: {  	_ =	swait.ge @!p0 [sflag:s0], s1  }
0x316: {  	s1 =	ssub.s32 @!p0 $0x0, s1;
	[sflag:s0] =	ssyncset.done @!p0 $0x0  }
0x317: {  	[sflag:s0] =	ssyncadd.s32 @!p0 s1  }
0x318: {  	[bflag:$0x3] =	sbarrier.arrive $0xFFFF  }
0x319: {  	_ =	shalt  }

</sc_bundles>
